<compile_context>
chip_gen: v7x
topology: tpu7x:2x2x1
jax: 0.10.2.dev20260603
libtpu: 0.0.44.dev20260713+nightly
codegen_flags: <defaults>
</compile_context>

<pallas_src>
import jax
import jax.numpy as jnp
from jax import lax
from jax.experimental import pallas as pl
from jax.experimental.pallas import tpu as pltpu
from jax.experimental.pallas import tpu_sc as plsc

N_NODES = 10000
N_EDGES = 320000
D_FEAT = 128
BATCH = 4096

NUM_CORES = 2
NUM_SUBCORES = 16
NUM_TILES = NUM_CORES * NUM_SUBCORES

CHUNK = 64
CHUNKS_PER_TILE = -(-N_EDGES // (CHUNK * NUM_TILES))
E_PAD = CHUNKS_PER_TILE * CHUNK * NUM_TILES

N_ACC = 10240
PAD_ROW = N_NODES
ROWS_PER_SUBCORE = N_ACC // NUM_SUBCORES
ZROWS = 64
ZITER = ROWS_PER_SUBCORE // ZROWS

NODES_PER_SUBCORE = BATCH // NUM_SUBCORES
NODE_CHUNK = CHUNK


def _sc_body(edges2_h, nodes_h, x_h, z128_h, z640_h, ones_h,
             p_h, self_h, accf_h, degf_h,
             acc_sh, deg_sh,
             idx_v, idx2_v, didx_v, idxd_v, rows_v, deg1_v, ones1_v, sem):
    c = lax.axis_index("c")
    s = lax.axis_index("s")
    wid = c * NUM_SUBCORES + s
    rbase = s * ROWS_PER_SUBCORE

    pltpu.sync_copy(z128_h, rows_v)
    pltpu.sync_copy(z640_h, deg1_v)
    pltpu.sync_copy(ones_h, ones1_v)

    def zbody(m, carry):
        pltpu.sync_copy(rows_v, acc_sh.at[pl.ds(rbase + m * ZROWS, ZROWS)])
        return carry

    lax.fori_loop(0, ZITER, zbody, 0)
    pltpu.sync_copy(deg1_v, deg_sh.at[pl.ds(rbase, ROWS_PER_SUBCORE)])
    plsc.subcore_barrier()

    def edge_body(j, carry):
        base = (j * NUM_TILES + wid) * (2 * CHUNK)
        pltpu.sync_copy(edges2_h.at[pl.ds(base, 2 * CHUNK)], idxd_v)
        for k in range(CHUNK // 16):
            idx_v[pl.ds(k * 16, 16)] = idxd_v[pl.ds(k * 16, 16)]
            didx_v[pl.ds(k * 16, 16)] = idxd_v[pl.ds(CHUNK + k * 16, 16)]
        pltpu.async_copy(x_h.at[idx_v], rows_v, sem).wait()
        pltpu.sync_copy(rows_v, acc_sh.at[didx_v], add=True)
        pltpu.sync_copy(ones1_v, deg_sh.at[didx_v], add=True)
        return carry

    lax.fori_loop(0, CHUNKS_PER_TILE, edge_body, 0)
    plsc.subcore_barrier()

    fbase = c * N_ACC + rbase

    def dump_body(m, carry):
        pltpu.sync_copy(acc_sh.at[pl.ds(rbase + m * ZROWS, ZROWS)], rows_v)
        pltpu.sync_copy(rows_v, accf_h.at[pl.ds(fbase + m * ZROWS, ZROWS)])
        return carry

    lax.fori_loop(0, ZITER, dump_body, 0)
    pltpu.sync_copy(deg_sh.at[pl.ds(rbase, ROWS_PER_SUBCORE)], deg1_v)
    pltpu.sync_copy(deg1_v, degf_h.at[pl.ds(fbase, ROWS_PER_SUBCORE)])
    plsc.subcore_barrier()

    def ext_body(t, carry):
        nbase = s * NODES_PER_SUBCORE + t * NODE_CHUNK
        obase = c * BATCH + nbase
        pltpu.sync_copy(nodes_h.at[pl.ds(nbase, NODE_CHUNK)], idx_v)
        for k in range(NODE_CHUNK // 16):
            idx2_v[pl.ds(k * 16, 16)] = idx_v[pl.ds(k * 16, 16)] + c * N_ACC
        pltpu.async_copy(accf_h.at[idx2_v], rows_v, sem).wait()
        pltpu.sync_copy(rows_v, p_h.at[pl.ds(obase, NODE_CHUNK)])
        pltpu.async_copy(x_h.at[idx_v], rows_v, sem).wait()
        pltpu.sync_copy(rows_v, self_h.at[pl.ds(obase, NODE_CHUNK)])
        return carry

    lax.fori_loop(0, NODES_PER_SUBCORE // NODE_CHUNK, ext_body, 0)


_sc_encoder = pl.kernel(
    _sc_body,
    out_type=(
        jax.ShapeDtypeStruct((NUM_CORES * BATCH, D_FEAT), jnp.float32),
        jax.ShapeDtypeStruct((NUM_CORES * BATCH, D_FEAT), jnp.float32),
        jax.ShapeDtypeStruct((NUM_CORES * N_ACC, D_FEAT), jnp.float32),
        jax.ShapeDtypeStruct((NUM_CORES * N_ACC,), jnp.float32),
    ),
    mesh=plsc.VectorSubcoreMesh(core_axis_name="c", subcore_axis_name="s"),
    scratch_types=[
        pltpu.VMEM_SHARED((N_ACC, D_FEAT), jnp.float32),
        pltpu.VMEM_SHARED((N_ACC,), jnp.float32),
        pltpu.VMEM((CHUNK,), jnp.int32),
        pltpu.VMEM((CHUNK,), jnp.int32),
        pltpu.VMEM((CHUNK,), jnp.int32),
        pltpu.VMEM((2 * CHUNK,), jnp.int32),
        pltpu.VMEM((CHUNK, D_FEAT), jnp.float32),
        pltpu.VMEM((ROWS_PER_SUBCORE,), jnp.float32),
        pltpu.VMEM((CHUNK,), jnp.float32),
        pltpu.SemaphoreType.DMA,
    ],
)


BB = 512
DEG_ROWS = NUM_CORES * N_ACC // D_FEAT


def _tc_body(nodes_ref, self_ref, p0_ref, p1_ref, degf_ref,
             as_ref, an_ref, wt_ref, w1_ref, b1_ref, w2_ref, b2_ref,
             out_ref):
    nodes_blk = nodes_ref[...]
    dt = degf_ref[0:DEG_ROWS // 2, :] + degf_ref[DEG_ROWS // 2:DEG_ROWS, :]
    nrow = nodes_blk // D_FEAT
    ncol = nodes_blk % D_FEAT
    row_iota = lax.broadcasted_iota(jnp.int32, (BB, DEG_ROWS // 2), 1)
    onehot_r = (nrow == row_iota).astype(jnp.float32)
    deg_rows = jnp.dot(onehot_r, dt, preferred_element_type=jnp.float32)
    col_iota = lax.broadcasted_iota(jnp.int32, (BB, D_FEAT), 1)
    col_mask = (ncol == col_iota).astype(jnp.float32)
    deg_at = jnp.sum(deg_rows * col_mask, axis=1, keepdims=True)
    deg = jnp.maximum(deg_at, 1.0)
    neigh = (p0_ref[...] + p1_ref[...]) / deg
    e = jnp.dot(self_ref[...], as_ref[...], preferred_element_type=jnp.float32)
    e = e + jnp.dot(neigh, an_ref[...], preferred_element_type=jnp.float32)
    e = jnp.maximum(e, 0.0)
    h = jnp.dot(e, wt_ref[...], preferred_element_type=jnp.float32)
    h1 = jnp.dot(h, w1_ref[...], preferred_element_type=jnp.float32) + b1_ref[...]
    h1 = jnp.maximum(h1, 0.0)
    logit = jnp.sum(h1 * w2_ref[...], axis=1, keepdims=True) + b2_ref[...]
    out_ref[...] = 1.0 / (1.0 + jnp.exp(-logit))


_tc_head = pl.pallas_call(
    _tc_body,
    grid=(BATCH // BB,),
    in_specs=[
        pl.BlockSpec((BB, 1), lambda i: (i, 0)),
        pl.BlockSpec((BB, D_FEAT), lambda i: (i, 0)),
        pl.BlockSpec((BB, D_FEAT), lambda i: (i, 0)),
        pl.BlockSpec((BB, D_FEAT), lambda i: (i, 0)),
        pl.BlockSpec((DEG_ROWS, D_FEAT), lambda i: (0, 0)),
        pl.BlockSpec((D_FEAT, D_FEAT), lambda i: (0, 0)),
        pl.BlockSpec((D_FEAT, D_FEAT), lambda i: (0, 0)),
        pl.BlockSpec((D_FEAT, D_FEAT), lambda i: (0, 0)),
        pl.BlockSpec((D_FEAT, D_FEAT), lambda i: (0, 0)),
        pl.BlockSpec((1, D_FEAT), lambda i: (0, 0)),
        pl.BlockSpec((1, D_FEAT), lambda i: (0, 0)),
        pl.BlockSpec((1, 1), lambda i: (0, 0)),
    ],
    out_specs=pl.BlockSpec((BB, 1), lambda i: (i, 0)),
    out_shape=jax.ShapeDtypeStruct((BATCH, 1), jnp.float32),
)


def kernel(nodes, x, edge_index, variable_num, W_enc, weight, W1, b1, W2, b2):
    del variable_num
    pad = E_PAD - N_EDGES
    src = jnp.concatenate([edge_index[0], jnp.zeros((pad,), jnp.int32)])
    dst = jnp.concatenate([edge_index[1], jnp.full((pad,), PAD_ROW, jnp.int32)])
    edges2 = jnp.concatenate(
        [src.reshape(-1, CHUNK), dst.reshape(-1, CHUNK)], axis=1).reshape(-1)
    z128 = jnp.zeros((ZROWS, D_FEAT), jnp.float32)
    z640 = jnp.zeros((ROWS_PER_SUBCORE,), jnp.float32)
    ones = jnp.ones((CHUNK,), jnp.float32)
    p, self_feats, _, degf = _sc_encoder(edges2, nodes, x, z128, z640, ones)
    a_self = W_enc[:, :D_FEAT].T
    a_neigh = W_enc[:, D_FEAT:].T
    wt = weight.T
    scores = _tc_head(
        nodes.reshape(BATCH, 1), self_feats[:BATCH], p[:BATCH], p[BATCH:],
        degf.reshape(DEG_ROWS, D_FEAT),
        a_self, a_neigh, wt, W1,
        b1.reshape(1, D_FEAT), W2.reshape(1, D_FEAT), b2.reshape(1, 1),
    )
    return scores

# --- scband reference (transcript-rebuilt; emitter-appended) ---
"""Pipeline reference for scband-supervised-graph-sage-6751688589788 (READ-ONLY COPY).

The authoritative reference and input builder live on the scoring server;
editing this copy changes nothing except your own understanding.
"""

import jax, jax.numpy as jnp
import numpy as np

N_NODES = 10000
N_EDGES = 320000
D_FEAT = 128
EMBED_DIM = 128
HIDDEN_DIM = 128
BATCH = 4096
VAR_NUM = 5000


def _xavier(key, shape):
    fan_in, fan_out = shape[1], shape[0]
    limit = float(np.sqrt(6.0 / (fan_in + fan_out)))
    return jax.random.uniform(key, shape, dtype=jnp.float32, minval=-limit, maxval=limit)


def setup_inputs(seed: int = 0) -> dict:
    key = jax.random.key(seed)
    ks = jax.random.split(key, 10)
    x = jax.random.normal(ks[0], (N_NODES, D_FEAT), dtype=jnp.float32)
    edge_index = jax.random.randint(ks[1], (2, N_EDGES), 0, N_NODES, dtype=jnp.int32)
    nodes = jax.random.randint(ks[2], (BATCH,), 0, N_NODES, dtype=jnp.int32)
    # enc: GraphSage encoder weight [embed_dim, 2*d_feat] (self feats concat neigh mean)
    W_enc = _xavier(ks[3], (EMBED_DIM, 2 * D_FEAT))
    # SupervisedGraphSage.weight: [feature_dim, embed_dim]
    weight = _xavier(ks[4], (D_FEAT, EMBED_DIM))
    # Perceptron(feature_dim, hidden_dim, 1)
    W1 = _xavier(ks[5], (HIDDEN_DIM, D_FEAT)).T
    b1 = jnp.zeros((HIDDEN_DIM,), dtype=jnp.float32)
    W2 = _xavier(ks[6], (1, HIDDEN_DIM)).T
    b2 = jnp.zeros((1,), dtype=jnp.float32)
    return {
        "nodes": nodes,
        "x": x,
        "edge_index": edge_index,
        "variable_num": VAR_NUM,
        "W_enc": W_enc,
        "weight": weight,
        "W1": W1,
        "b1": b1,
        "W2": W2,
        "b2": b2,
    }


def reference(nodes, x, edge_index, variable_num, W_enc, weight, W1, b1, W2, b2):
    src = edge_index[0]
    dst = edge_index[1]
    # enc(nodes): mean aggregator over neighbors + linear + relu
    msgs = jnp.take(x, src, axis=0)  # gather [E, d]
    neigh_sum = jax.ops.segment_sum(msgs, dst, num_segments=x.shape[0])
    deg = jax.ops.segment_sum(jnp.ones((src.shape[0], 1), dtype=jnp.float32), dst, num_segments=x.shape[0])
    neigh_mean = neigh_sum / jnp.maximum(deg, 1.0)
    self_feats = jnp.take(x, nodes, axis=0)          # [B, d]
    neigh_feats = jnp.take(neigh_mean, nodes, axis=0)  # [B, d]
    combined = jnp.concatenate([self_feats, neigh_feats], axis=1)  # [B, 2d]
    embeds = jax.nn.relu(W_enc @ combined.T)  # [embed_dim, B]
    # scores = Perceptron(weight.mm(embeds).t())
    h = (weight @ embeds).T  # [B, feature_dim]
    h1 = jax.nn.relu(h @ W1 + b1)
    scores = jax.nn.sigmoid(h1 @ W2 + b2)  # [B, 1]
    # mask / solution update (scatter-overwrite routed by node id)
    mask_shift = (jnp.asarray(variable_num) - VAR_NUM).astype(jnp.float32)
    mask = jnp.ones((VAR_NUM * 2, 1), dtype=jnp.float32) + mask_shift
    mask = mask.at[nodes].set(1.0 - scores)
    mask = 1.0 - mask
    length = nodes.shape[0] // 2
    variable_prediction = mask[:length]
    _ = variable_prediction  # sat_problem._post_process_predictions is an external side effect
    return scores


if False:  # reference __main__ guard neutralized (emitter)
    out = reference(**setup_inputs())
    print(out.shape)

if __name__ == "__main__":
    import jax
    _d = setup_inputs()
    print(jax.jit(kernel)(*tuple(_d.values())))

</pallas_src>

<mosaic_0001>
#map = affine_map<(d0, d1) -> (0)>
#map1 = affine_map<(d0, d1) -> (0, 0)>
module attributes {stable_mosaic.version = 14 : i64} {
  func.func @_sc_body(%arg0: i32, %arg1: i32, %arg2: memref<643072xi32, #tpu.memory_space<hbm>>, %arg3: memref<4096xi32, #tpu.memory_space<hbm>>, %arg4: memref<10000x128xf32, #tpu.memory_space<hbm>>, %arg5: memref<64x128xf32, #tpu.memory_space<hbm>>, %arg6: memref<640xf32, #tpu.memory_space<hbm>>, %arg7: memref<64xf32, #tpu.memory_space<hbm>>, %arg8: memref<8192x128xf32, #tpu.memory_space<hbm>>, %arg9: memref<8192x128xf32, #tpu.memory_space<hbm>>, %arg10: memref<20480x128xf32, #tpu.memory_space<hbm>>, %arg11: memref<20480xf32, #tpu.memory_space<hbm>>, %arg12: memref<10240x128xf32, #tpu.memory_space<vmem_shared>>, %arg13: memref<10240xf32, #tpu.memory_space<vmem_shared>>, %arg14: memref<64xi32, #tpu.memory_space<vmem>>, %arg15: memref<64xi32, #tpu.memory_space<vmem>>, %arg16: memref<64xi32, #tpu.memory_space<vmem>>, %arg17: memref<128xi32, #tpu.memory_space<vmem>>, %arg18: memref<64x128xf32, #tpu.memory_space<vmem>>, %arg19: memref<640xf32, #tpu.memory_space<vmem>>, %arg20: memref<64xf32, #tpu.memory_space<vmem>>, %arg21: memref<!tpu.dma_semaphore, #tpu.memory_space<semaphore_mem>>) attributes {dimension_semantics = [#tpu.dimension_semantics<core_parallel>, #tpu.dimension_semantics<subcore_parallel>], iteration_bounds = array<i64: 2, 16>, scalar_prefetch = 0 : i64, scratch_operands = 10 : i64, tpu.core_type = #tpu.core_type<sc_vector_subcore>, window_params = [{transform_indices = #map}, {transform_indices = #map}, {transform_indices = #map1}, {transform_indices = #map1}, {transform_indices = #map}, {transform_indices = #map}, {transform_indices = #map1}, {transform_indices = #map1}, {transform_indices = #map1}, {transform_indices = #map}]} {
    %mul3A = arith.constant 16 : i32
    %mul3A_0 = arith.muli %arg0, %mul3A : i32
    %add3A = arith.addi %mul3A_0, %arg1 : i32
    %mul3A_1 = arith.constant 640 : i32
    %mul3A_2 = arith.muli %arg1, %mul3A_1 : i32
    "tpu.region"() ({
      %run_scoped3A = tpu.sem_alloc : memref<!tpu.dma_semaphore, #tpu.memory_space<semaphore_mem>>
      tpu.enqueue_dma source(%arg5 : memref<64x128xf32, #tpu.memory_space<hbm>>) target(%arg18 : memref<64x128xf32, #tpu.memory_space<vmem>>) target_semaphore(%run_scoped3A : memref<!tpu.dma_semaphore, #tpu.memory_space<semaphore_mem>>)
      tpu.wait_dma2 semaphore(%run_scoped3A : memref<!tpu.dma_semaphore, #tpu.memory_space<semaphore_mem>>) src(%arg5 : memref<64x128xf32, #tpu.memory_space<hbm>>) dst(%arg18 : memref<64x128xf32, #tpu.memory_space<vmem>>)
      tpu.yield
    }) : () -> ()
    "tpu.region"() ({
      %run_scoped3A = tpu.sem_alloc : memref<!tpu.dma_semaphore, #tpu.memory_space<semaphore_mem>>
      tpu.enqueue_dma source(%arg6 : memref<640xf32, #tpu.memory_space<hbm>>) target(%arg19 : memref<640xf32, #tpu.memory_space<vmem>>) target_semaphore(%run_scoped3A : memref<!tpu.dma_semaphore, #tpu.memory_space<semaphore_mem>>)
      tpu.wait_dma2 semaphore(%run_scoped3A : memref<!tpu.dma_semaphore, #tpu.memory_space<semaphore_mem>>) src(%arg6 : memref<640xf32, #tpu.memory_space<hbm>>) dst(%arg19 : memref<640xf32, #tpu.memory_space<vmem>>)
      tpu.yield
    }) : () -> ()
    "tpu.region"() ({
      %run_scoped3A = tpu.sem_alloc : memref<!tpu.dma_semaphore, #tpu.memory_space<semaphore_mem>>
      tpu.enqueue_dma source(%arg7 : memref<64xf32, #tpu.memory_space<hbm>>) target(%arg20 : memref<64xf32, #tpu.memory_space<vmem>>) target_semaphore(%run_scoped3A : memref<!tpu.dma_semaphore, #tpu.memory_space<semaphore_mem>>)
      tpu.wait_dma2 semaphore(%run_scoped3A : memref<!tpu.dma_semaphore, #tpu.memory_space<semaphore_mem>>) src(%arg7 : memref<64xf32, #tpu.memory_space<hbm>>) dst(%arg20 : memref<64xf32, #tpu.memory_space<vmem>>)
      tpu.yield
    }) : () -> ()
    %scan3A = arith.constant 0 : i32
    %scan3A_3 = arith.constant 0 : i32
    %scan3A_4 = arith.constant 10 : i32
    %scan3A_5 = arith.addi %scan3A_3, %scan3A_4 : i32
    %scan3A_6 = arith.constant 1 : i32
    scf.for %scan3A_31 = %scan3A_3 to %scan3A_5 step %scan3A_6  : i32 {
      %mul3A_32 = arith.constant 64 : i32
      %mul3A_33 = arith.muli %scan3A_31, %mul3A_32 : i32
      %add3A_34 = arith.addi %mul3A_2, %mul3A_33 : i32
      "tpu.region"() ({
        %run_scoped3A = tpu.sem_alloc : memref<!tpu.dma_semaphore, #tpu.memory_space<semaphore_mem>>
        %dma_start3A = arith.constant 0 : i32
        %dma_start3A_35 = tpu.memref_slice %arg12[%add3A_34, %dma_start3A] : memref<10240x128xf32, #tpu.memory_space<vmem_shared>> -> memref<64x128xf32, #tpu.memory_space<vmem_shared>>
        %dma_start3A_36 = arith.constant 0 : i32
        %dma_start3A_37 = tpu.memref_slice %arg12[%add3A_34, %dma_start3A_36] : memref<10240x128xf32, #tpu.memory_space<vmem_shared>> -> memref<64x128xf32, #tpu.memory_space<vmem_shared>>
        tpu.enqueue_dma source(%arg18 : memref<64x128xf32, #tpu.memory_space<vmem>>) target(%dma_start3A_37 : memref<64x128xf32, #tpu.memory_space<vmem_shared>>) target_semaphore(%run_scoped3A : memref<!tpu.dma_semaphore, #tpu.memory_space<semaphore_mem>>)
        %dma_wait3A = arith.constant 0 : i32
        %dma_wait3A_38 = tpu.memref_slice %arg12[%add3A_34, %dma_wait3A] : memref<10240x128xf32, #tpu.memory_space<vmem_shared>> -> memref<64x128xf32, #tpu.memory_space<vmem_shared>>
        %dma_wait3A_39 = arith.constant 0 : i32
        %dma_wait3A_40 = tpu.memref_slice %arg12[%add3A_34, %dma_wait3A_39] : memref<10240x128xf32, #tpu.memory_space<vmem_shared>> -> memref<64x128xf32, #tpu.memory_space<vmem_shared>>
        tpu.wait_dma2 semaphore(%run_scoped3A : memref<!tpu.dma_semaphore, #tpu.memory_space<semaphore_mem>>) src(%arg18 : memref<64x128xf32, #tpu.memory_space<vmem>>) dst(%dma_wait3A_40 : memref<64x128xf32, #tpu.memory_space<vmem_shared>>)
        tpu.yield
      }) : () -> ()
    }
    %scan3A_7 = arith.constant 10 : i32
    "tpu.region"() ({
      %run_scoped3A = tpu.sem_alloc : memref<!tpu.dma_semaphore, #tpu.memory_space<semaphore_mem>>
      %dma_start3A = tpu.memref_slice %arg13[%mul3A_2] : memref<10240xf32, #tpu.memory_space<vmem_shared>> -> memref<640xf32, #tpu.memory_space<vmem_shared>>
      %dma_start3A_31 = tpu.memref_slice %arg13[%mul3A_2] : memref<10240xf32, #tpu.memory_space<vmem_shared>> -> memref<640xf32, #tpu.memory_space<vmem_shared>>
      tpu.enqueue_dma source(%arg19 : memref<640xf32, #tpu.memory_space<vmem>>) target(%dma_start3A_31 : memref<640xf32, #tpu.memory_space<vmem_shared>>) target_semaphore(%run_scoped3A : memref<!tpu.dma_semaphore, #tpu.memory_space<semaphore_mem>>)
      %dma_wait3A = tpu.memref_slice %arg13[%mul3A_2] : memref<10240xf32, #tpu.memory_space<vmem_shared>> -> memref<640xf32, #tpu.memory_space<vmem_shared>>
      %dma_wait3A_32 = tpu.memref_slice %arg13[%mul3A_2] : memref<10240xf32, #tpu.memory_space<vmem_shared>> -> memref<640xf32, #tpu.memory_space<vmem_shared>>
      tpu.wait_dma2 semaphore(%run_scoped3A : memref<!tpu.dma_semaphore, #tpu.memory_space<semaphore_mem>>) src(%arg19 : memref<640xf32, #tpu.memory_space<vmem>>) dst(%dma_wait3A_32 : memref<640xf32, #tpu.memory_space<vmem_shared>>)
      tpu.yield
    }) : () -> ()
    %barrier3A = arith.constant 0 : index
    tpu.barrier barrier_id(%barrier3A)
    %scan3A_8 = arith.constant 0 : i32
    %scan3A_9 = arith.constant 0 : i32
    %scan3A_10 = arith.constant 157 : i32
    %scan3A_11 = arith.addi %scan3A_9, %scan3A_10 : i32
    %scan3A_12 = arith.constant 1 : i32
    scf.for %scan3A_31 = %scan3A_9 to %scan3A_11 step %scan3A_12  : i32 {
      %mul3A_32 = arith.constant 32 : i32
      %mul3A_33 = arith.muli %scan3A_31, %mul3A_32 : i32
      %add3A_34 = arith.addi %mul3A_33, %add3A : i32
      %mul3A_35 = arith.constant 128 : i32
      %mul3A_36 = arith.muli %add3A_34, %mul3A_35 : i32
      "tpu.region"() ({
        %run_scoped3A = tpu.sem_alloc : memref<!tpu.dma_semaphore, #tpu.memory_space<semaphore_mem>>
        %dma_start3A_95 = tpu.memref_slice %arg2[%mul3A_36] : memref<643072xi32, #tpu.memory_space<hbm>> -> memref<128xi32, #tpu.memory_space<hbm>>
        %dma_start3A_96 = tpu.memref_slice %arg2[%mul3A_36] : memref<643072xi32, #tpu.memory_space<hbm>> -> memref<128xi32, #tpu.memory_space<hbm>>
        tpu.enqueue_dma source(%dma_start3A_96 : memref<128xi32, #tpu.memory_space<hbm>>) target(%arg17 : memref<128xi32, #tpu.memory_space<vmem>>) target_semaphore(%run_scoped3A : memref<!tpu.dma_semaphore, #tpu.memory_space<semaphore_mem>>)
        %dma_wait3A_97 = tpu.memref_slice %arg2[%mul3A_36] : memref<643072xi32, #tpu.memory_space<hbm>> -> memref<128xi32, #tpu.memory_space<hbm>>
        %dma_wait3A_98 = tpu.memref_slice %arg2[%mul3A_36] : memref<643072xi32, #tpu.memory_space<hbm>> -> memref<128xi32, #tpu.memory_space<hbm>>
        tpu.wait_dma2 semaphore(%run_scoped3A : memref<!tpu.dma_semaphore, #tpu.memory_space<semaphore_mem>>) src(%dma_wait3A_98 : memref<128xi32, #tpu.memory_space<hbm>>) dst(%arg17 : memref<128xi32, #tpu.memory_space<vmem>>)
        tpu.yield
      }) : () -> ()
      %get3A = arith.constant 0 : index
      %get3A_37 = tpu.vector_load %arg17[%get3A] {strides = array<i32>} : memref<128xi32, #tpu.memory_space<vmem>>, vector<16xi32>,
      %get3A_38 = vector.shape_cast %get3A_37 : vector<16xi32> to vector<16xi32>
      %swap3A = arith.constant 0 : index
      %swap3A_39 = tpu.vector_load %arg14[%swap3A] {strides = array<i32>} : memref<64xi32, #tpu.memory_space<vmem>>, vector<16xi32>,
      %swap3A_40 = vector.shape_cast %swap3A_39 : vector<16xi32> to vector<16xi32>
      %swap3A_41 = vector.shape_cast %get3A_38 : vector<16xi32> to vector<16xi32>
      tpu.vector_store %arg14[%swap3A], %swap3A_41 {strides = array<i32>} : memref<64xi32, #tpu.memory_space<vmem>>, vector<16xi32>,
      %get3A_42 = arith.constant 64 : index
      %get3A_43 = tpu.vector_load %arg17[%get3A_42] {strides = array<i32>} : memref<128xi32, #tpu.memory_space<vmem>>, vector<16xi32>,
      %get3A_44 = vector.shape_cast %get3A_43 : vector<16xi32> to vector<16xi32>
      %swap3A_45 = arith.constant 0 : index
      %swap3A_46 = tpu.vector_load %arg16[%swap3A_45] {strides = array<i32>} : memref<64xi32, #tpu.memory_space<vmem>>, vector<16xi32>,
      %swap3A_47 = vector.shape_cast %swap3A_46 : vector<16xi32> to vector<16xi32>
      %swap3A_48 = vector.shape_cast %get3A_44 : vector<16xi32> to vector<16xi32>
      tpu.vector_store %arg16[%swap3A_45], %swap3A_48 {strides = array<i32>} : memref<64xi32, #tpu.memory_space<vmem>>, vector<16xi32>,
      %get3A_49 = arith.constant 16 : index
      %get3A_50 = tpu.vector_load %arg17[%get3A_49] {strides = array<i32>} : memref<128xi32, #tpu.memory_space<vmem>>, vector<16xi32>,
      %get3A_51 = vector.shape_cast %get3A_50 : vector<16xi32> to vector<16xi32>
      %swap3A_52 = arith.constant 16 : index
      %swap3A_53 = tpu.vector_load %arg14[%swap3A_52] {strides = array<i32>} : memref<64xi32, #tpu.memory_space<vmem>>, vector<16xi32>,
      %swap3A_54 = vector.shape_cast %swap3A_53 : vector<16xi32> to vector<16xi32>
      %swap3A_55 = vector.shape_cast %get3A_51 : vector<16xi32> to vector<16xi32>
      tpu.vector_store %arg14[%swap3A_52], %swap3A_55 {strides = array<i32>} : memref<64xi32, #tpu.memory_space<vmem>>, vector<16xi32>,
      %get3A_56 = arith.constant 80 : index
      %get3A_57 = tpu.vector_load %arg17[%get3A_56] {strides = array<i32>} : memref<128xi32, #tpu.memory_space<vmem>>, vector<16xi32>,
      %get3A_58 = vector.shape_cast %get3A_57 : vector<16xi32> to vector<16xi32>
      %swap3A_59 = arith.constant 16 : index
      %swap3A_60 = tpu.vector_load %arg16[%swap3A_59] {strides = array<i32>} : memref<64xi32, #tpu.memory_space<vmem>>, vector<16xi32>,
      %swap3A_61 = vector.shape_cast %swap3A_60 : vector<16xi32> to vector<16xi32>
      %swap3A_62 = vector.shape_cast %get3A_58 : vector<16xi32> to vector<16xi32>
      tpu.vector_store %arg16[%swap3A_59], %swap3A_62 {strides = array<i32>} : memref<64xi32, #tpu.memory_space<vmem>>, vector<16xi32>,
      %get3A_63 = arith.constant 32 : index
      %get3A_64 = tpu.vector_load %arg17[%get3A_63] {strides = array<i32>} : memref<128xi32, #tpu.memory_space<vmem>>, vector<16xi32>,
      %get3A_65 = vector.shape_cast %get3A_64 : vector<16xi32> to vector<16xi32>
      %swap3A_66 = arith.constant 32 : index
      %swap3A_67 = tpu.vector_load %arg14[%swap3A_66] {strides = array<i32>} : memref<64xi32, #tpu.memory_space<vmem>>, vector<16xi32>,
      %swap3A_68 = vector.shape_cast %swap3A_67 : vector<16xi32> to vector<16xi32>
      %swap3A_69 = vector.shape_cast %get3A_65 : vector<16xi32> to vector<16xi32>
      tpu.vector_store %arg14[%swap3A_66], %swap3A_69 {strides = array<i32>} : memref<64xi32, #tpu.memory_space<vmem>>, vector<16xi32>,
      %get3A_70 = arith.constant 96 : index
      %get3A_71 = tpu.vector_load %arg17[%get3A_70] {strides = array<i32>} : memref<128xi32, #tpu.memory_space<vmem>>, vector<16xi32>,
      %get3A_72 = vector.shape_cast %get3A_71 : vector<16xi32> to vector<16xi32>
      %swap3A_73 = arith.constant 32 : index
      %swap3A_74 = tpu.vector_load %arg16[%swap3A_73] {strides = array<i32>} : memref<64xi32, #tpu.memory_space<vmem>>, vector<16xi32>,
      %swap3A_75 = vector.shape_cast %swap3A_74 : vector<16xi32> to vector<16xi32>
      %swap3A_76 = vector.shape_cast %get3A_72 : vector<16xi32> to vector<16xi32>
      tpu.vector_store %arg16[%swap3A_73], %swap3A_76 {strides = array<i32>} : memref<64xi32, #tpu.memory_space<vmem>>, vector<16xi32>,
      %get3A_77 = arith.constant 48 : index
      %get3A_78 = tpu.vector_load %arg17[%get3A_77] {strides = array<i32>} : memref<128xi32, #tpu.memory_space<vmem>>, vector<16xi32>,
      %get3A_79 = vector.shape_cast %get3A_78 : vector<16xi32> to vector<16xi32>
      %swap3A_80 = arith.constant 48 : index
      %swap3A_81 = tpu.vector_load %arg14[%swap3A_80] {strides = array<i32>} : memref<64xi32, #tpu.memory_space<vmem>>, vector<16xi32>,
      %swap3A_82 = vector.shape_cast %swap3A_81 : vector<16xi32> to vector<16xi32>
      %swap3A_83 = vector.shape_cast %get3A_79 : vector<16xi32> to vector<16xi32>
      tpu.vector_store %arg14[%swap3A_80], %swap3A_83 {strides = array<i32>} : memref<64xi32, #tpu.memory_space<vmem>>, vector<16xi32>,
      %get3A_84 = arith.constant 112 : index
      %get3A_85 = tpu.vector_load %arg17[%get3A_84] {strides = array<i32>} : memref<128xi32, #tpu.memory_space<vmem>>, vector<16xi32>,
      %get3A_86 = vector.shape_cast %get3A_85 : vector<16xi32> to vector<16xi32>
      %swap3A_87 = arith.constant 48 : index
      %swap3A_88 = tpu.vector_load %arg16[%swap3A_87] {strides = array<i32>} : memref<64xi32, #tpu.memory_space<vmem>>, vector<16xi32>,
      %swap3A_89 = vector.shape_cast %swap3A_88 : vector<16xi32> to vector<16xi32>
      %swap3A_90 = vector.shape_cast %get3A_86 : vector<16xi32> to vector<16xi32>
      tpu.vector_store %arg16[%swap3A_87], %swap3A_90 {strides = array<i32>} : memref<64xi32, #tpu.memory_space<vmem>>, vector<16xi32>,
      %dma_start3A = arith.constant 0 : i32
      %dma_start3A_91 = arith.constant 0 : i32
      %dma_start3A_92 = tpu.memref_slice %arg4[%dma_start3A, %dma_start3A_91] : memref<10000x128xf32, #tpu.memory_space<hbm>> -> memref<10000x128xf32, #tpu.memory_space<hbm>>
      tpu.enqueue_indirect_dma source(%dma_start3A_92 : memref<10000x128xf32, #tpu.memory_space<hbm>>) target(%arg18 : memref<64x128xf32, #tpu.memory_space<vmem>>) offsets(%arg14 : memref<64xi32, #tpu.memory_space<vmem>>) semaphore(%arg21 : memref<!tpu.dma_semaphore, #tpu.memory_space<semaphore_mem>>)
      %dma_wait3A = arith.constant 0 : i32
      %dma_wait3A_93 = arith.constant 0 : i32
      %dma_wait3A_94 = tpu.memref_slice %arg4[%dma_wait3A, %dma_wait3A_93] : memref<10000x128xf32, #tpu.memory_space<hbm>> -> memref<10000x128xf32, #tpu.memory_space<hbm>>
      tpu.wait_indirect_dma semaphore(%arg21 : memref<!tpu.dma_semaphore, #tpu.memory_space<semaphore_mem>>) src(%dma_wait3A_94 : memref<10000x128xf32, #tpu.memory_space<hbm>>) dst(%arg18 : memref<64x128xf32, #tpu.memory_space<vmem>>)
      "tpu.region"() ({
        %run_scoped3A = tpu.sem_alloc : memref<!tpu.dma_semaphore, #tpu.memory_space<semaphore_mem>>
        %dma_start3A_95 = arith.constant 0 : i32
        %dma_start3A_96 = arith.constant 0 : i32
        %dma_start3A_97 = tpu.memref_slice %arg12[%dma_start3A_95, %dma_start3A_96] : memref<10240x128xf32, #tpu.memory_space<vmem_shared>> -> memref<10240x128xf32, #tpu.memory_space<vmem_shared>>
        tpu.enqueue_indirect_dma source(%arg18 : memref<64x128xf32, #tpu.memory_space<vmem>>) target(%dma_start3A_97 : memref<10240x128xf32, #tpu.memory_space<vmem_shared>>) offsets(%arg16 : memref<64xi32, #tpu.memory_space<vmem>>) semaphore(%run_scoped3A : memref<!tpu.dma_semaphore, #tpu.memory_space<semaphore_mem>>) {add = true}
        %dma_wait3A_98 = arith.constant 0 : i32
        %dma_wait3A_99 = arith.constant 0 : i32
        %dma_wait3A_100 = tpu.memref_slice %arg12[%dma_wait3A_98, %dma_wait3A_99] : memref<10240x128xf32, #tpu.memory_space<vmem_shared>> -> memref<10240x128xf32, #tpu.memory_space<vmem_shared>>
        tpu.wait_indirect_dma semaphore(%run_scoped3A : memref<!tpu.dma_semaphore, #tpu.memory_space<semaphore_mem>>) src(%arg18 : memref<64x128xf32, #tpu.memory_space<vmem>>) dst(%dma_wait3A_100 : memref<10240x128xf32, #tpu.memory_space<vmem_shared>>)
        tpu.yield
      }) : () -> ()
      "tpu.region"() ({
        %run_scoped3A = tpu.sem_alloc : memref<!tpu.dma_semaphore, #tpu.memory_space<semaphore_mem>>
        %dma_start3A_95 = arith.constant 0 : i32
        %dma_start3A_96 = tpu.memref_slice %arg13[%dma_start3A_95] : memref<10240xf32, #tpu.memory_space<vmem_shared>> -> memref<10240xf32, #tpu.memory_space<vmem_shared>>
        tpu.enqueue_indirect_dma source(%arg20 : memref<64xf32, #tpu.memory_space<vmem>>) target(%dma_start3A_96 : memref<10240xf32, #tpu.memory_space<vmem_shared>>) offsets(%arg16 : memref<64xi32, #tpu.memory_space<vmem>>) semaphore(%run_scoped3A : memref<!tpu.dma_semaphore, #tpu.memory_space<semaphore_mem>>) {add = true}
        %dma_wait3A_97 = arith.constant 0 : i32
        %dma_wait3A_98 = tpu.memref_slice %arg13[%dma_wait3A_97] : memref<10240xf32, #tpu.memory_space<vmem_shared>> -> memref<10240xf32, #tpu.memory_space<vmem_shared>>
        tpu.wait_indirect_dma semaphore(%run_scoped3A : memref<!tpu.dma_semaphore, #tpu.memory_space<semaphore_mem>>) src(%arg20 : memref<64xf32, #tpu.memory_space<vmem>>) dst(%dma_wait3A_98 : memref<10240xf32, #tpu.memory_space<vmem_shared>>)
        tpu.yield
      }) : () -> ()
    }
    %scan3A_13 = arith.constant 157 : i32
    %barrier3A_14 = arith.constant 0 : index
    tpu.barrier barrier_id(%barrier3A_14)
    %mul3A_15 = arith.constant 10240 : i32
    %mul3A_16 = arith.muli %arg0, %mul3A_15 : i32
    %add3A_17 = arith.addi %mul3A_16, %mul3A_2 : i32
    %scan3A_18 = arith.constant 0 : i32
    %scan3A_19 = arith.constant 0 : i32
    %scan3A_20 = arith.constant 10 : i32
    %scan3A_21 = arith.addi %scan3A_19, %scan3A_20 : i32
    %scan3A_22 = arith.constant 1 : i32
    scf.for %scan3A_31 = %scan3A_19 to %scan3A_21 step %scan3A_22  : i32 {
      %mul3A_32 = arith.constant 64 : i32
      %mul3A_33 = arith.muli %scan3A_31, %mul3A_32 : i32
      %add3A_34 = arith.addi %mul3A_2, %mul3A_33 : i32
      "tpu.region"() ({
        %run_scoped3A = tpu.sem_alloc : memref<!tpu.dma_semaphore, #tpu.memory_space<semaphore_mem>>
        %dma_start3A = arith.constant 0 : i32
        %dma_start3A_38 = tpu.memref_slice %arg12[%add3A_34, %dma_start3A] : memref<10240x128xf32, #tpu.memory_space<vmem_shared>> -> memref<64x128xf32, #tpu.memory_space<vmem_shared>>
        %dma_start3A_39 = arith.constant 0 : i32
        %dma_start3A_40 = tpu.memref_slice %arg12[%add3A_34, %dma_start3A_39] : memref<10240x128xf32, #tpu.memory_space<vmem_shared>> -> memref<64x128xf32, #tpu.memory_space<vmem_shared>>
        tpu.enqueue_dma source(%dma_start3A_40 : memref<64x128xf32, #tpu.memory_space<vmem_shared>>) target(%arg18 : memref<64x128xf32, #tpu.memory_space<vmem>>) target_semaphore(%run_scoped3A : memref<!tpu.dma_semaphore, #tpu.memory_space<semaphore_mem>>)
        %dma_wait3A = arith.constant 0 : i32
        %dma_wait3A_41 = tpu.memref_slice %arg12[%add3A_34, %dma_wait3A] : memref<10240x128xf32, #tpu.memory_space<vmem_shared>> -> memref<64x128xf32, #tpu.memory_space<vmem_shared>>
        %dma_wait3A_42 = arith.constant 0 : i32
        %dma_wait3A_43 = tpu.memref_slice %arg12[%add3A_34, %dma_wait3A_42] : memref<10240x128xf32, #tpu.memory_space<vmem_shared>> -> memref<64x128xf32, #tpu.memory_space<vmem_shared>>
        tpu.wait_dma2 semaphore(%run_scoped3A : memref<!tpu.dma_semaphore, #tpu.memory_space<semaphore_mem>>) src(%dma_wait3A_43 : memref<64x128xf32, #tpu.memory_space<vmem_shared>>) dst(%arg18 : memref<64x128xf32, #tpu.memory_space<vmem>>)
        tpu.yield
      }) : () -> ()
      %mul3A_35 = arith.constant 64 : i32
      %mul3A_36 = arith.muli %scan3A_31, %mul3A_35 : i32
      %add3A_37 = arith.addi %add3A_17, %mul3A_36 : i32
      "tpu.region"() ({
        %run_scoped3A = tpu.sem_alloc : memref<!tpu.dma_semaphore, #tpu.memory_space<semaphore_mem>>
        %dma_start3A = arith.constant 0 : i32
        %dma_start3A_38 = tpu.memref_slice %arg10[%add3A_37, %dma_start3A] : memref<20480x128xf32, #tpu.memory_space<hbm>> -> memref<64x128xf32, #tpu.memory_space<hbm>>
        %dma_start3A_39 = arith.constant 0 : i32
        %dma_start3A_40 = tpu.memref_slice %arg10[%add3A_37, %dma_start3A_39] : memref<20480x128xf32, #tpu.memory_space<hbm>> -> memref<64x128xf32, #tpu.memory_space<hbm>>
        tpu.enqueue_dma source(%arg18 : memref<64x128xf32, #tpu.memory_space<vmem>>) target(%dma_start3A_40 : memref<64x128xf32, #tpu.memory_space<hbm>>) target_semaphore(%run_scoped3A : memref<!tpu.dma_semaphore, #tpu.memory_space<semaphore_mem>>)
        %dma_wait3A = arith.constant 0 : i32
        %dma_wait3A_41 = tpu.memref_slice %arg10[%add3A_37, %dma_wait3A] : memref<20480x128xf32, #tpu.memory_space<hbm>> -> memref<64x128xf32, #tpu.memory_space<hbm>>
        %dma_wait3A_42 = arith.constant 0 : i32
        %dma_wait3A_43 = tpu.memref_slice %arg10[%add3A_37, %dma_wait3A_42] : memref<20480x128xf32, #tpu.memory_space<hbm>> -> memref<64x128xf32, #tpu.memory_space<hbm>>
        tpu.wait_dma2 semaphore(%run_scoped3A : memref<!tpu.dma_semaphore, #tpu.memory_space<semaphore_mem>>) src(%arg18 : memref<64x128xf32, #tpu.memory_space<vmem>>) dst(%dma_wait3A_43 : memref<64x128xf32, #tpu.memory_space<hbm>>)
        tpu.yield
      }) : () -> ()
    }
    %scan3A_23 = arith.constant 10 : i32
    "tpu.region"() ({
      %run_scoped3A = tpu.sem_alloc : memref<!tpu.dma_semaphore, #tpu.memory_space<semaphore_mem>>
      %dma_start3A = tpu.memref_slice %arg13[%mul3A_2] : memref<10240xf32, #tpu.memory_space<vmem_shared>> -> memref<640xf32, #tpu.memory_space<vmem_shared>>
      %dma_start3A_31 = tpu.memref_slice %arg13[%mul3A_2] : memref<10240xf32, #tpu.memory_space<vmem_shared>> -> memref<640xf32, #tpu.memory_space<vmem_shared>>
      tpu.enqueue_dma source(%dma_start3A_31 : memref<640xf32, #tpu.memory_space<vmem_shared>>) target(%arg19 : memref<640xf32, #tpu.memory_space<vmem>>) target_semaphore(%run_scoped3A : memref<!tpu.dma_semaphore, #tpu.memory_space<semaphore_mem>>)
      %dma_wait3A = tpu.memref_slice %arg13[%mul3A_2] : memref<10240xf32, #tpu.memory_space<vmem_shared>> -> memref<640xf32, #tpu.memory_space<vmem_shared>>
      %dma_wait3A_32 = tpu.memref_slice %arg13[%mul3A_2] : memref<10240xf32, #tpu.memory_space<vmem_shared>> -> memref<640xf32, #tpu.memory_space<vmem_shared>>
      tpu.wait_dma2 semaphore(%run_scoped3A : memref<!tpu.dma_semaphore, #tpu.memory_space<semaphore_mem>>) src(%dma_wait3A_32 : memref<640xf32, #tpu.memory_space<vmem_shared>>) dst(%arg19 : memref<640xf32, #tpu.memory_space<vmem>>)
      tpu.yield
    }) : () -> ()
    "tpu.region"() ({
      %run_scoped3A = tpu.sem_alloc : memref<!tpu.dma_semaphore, #tpu.memory_space<semaphore_mem>>
      %dma_start3A = tpu.memref_slice %arg11[%add3A_17] : memref<20480xf32, #tpu.memory_space<hbm>> -> memref<640xf32, #tpu.memory_space<hbm>>
      %dma_start3A_31 = tpu.memref_slice %arg11[%add3A_17] : memref<20480xf32, #tpu.memory_space<hbm>> -> memref<640xf32, #tpu.memory_space<hbm>>
      tpu.enqueue_dma source(%arg19 : memref<640xf32, #tpu.memory_space<vmem>>) target(%dma_start3A_31 : memref<640xf32, #tpu.memory_space<hbm>>) target_semaphore(%run_scoped3A : memref<!tpu.dma_semaphore, #tpu.memory_space<semaphore_mem>>)
      %dma_wait3A = tpu.memref_slice %arg11[%add3A_17] : memref<20480xf32, #tpu.memory_space<hbm>> -> memref<640xf32, #tpu.memory_space<hbm>>
      %dma_wait3A_32 = tpu.memref_slice %arg11[%add3A_17] : memref<20480xf32, #tpu.memory_space<hbm>> -> memref<640xf32, #tpu.memory_space<hbm>>
      tpu.wait_dma2 semaphore(%run_scoped3A : memref<!tpu.dma_semaphore, #tpu.memory_space<semaphore_mem>>) src(%arg19 : memref<640xf32, #tpu.memory_space<vmem>>) dst(%dma_wait3A_32 : memref<640xf32, #tpu.memory_space<hbm>>)
      tpu.yield
    }) : () -> ()
    %barrier3A_24 = arith.constant 0 : index
    tpu.barrier barrier_id(%barrier3A_24)
    %scan3A_25 = arith.constant 0 : i32
    %scan3A_26 = arith.constant 0 : i32
    %scan3A_27 = arith.constant 4 : i32
    %scan3A_28 = arith.addi %scan3A_26, %scan3A_27 : i32
    %scan3A_29 = arith.constant 1 : i32
    scf.for %scan3A_31 = %scan3A_26 to %scan3A_28 step %scan3A_29  : i32 {
      %mul3A_32 = arith.constant 256 : i32
      %mul3A_33 = arith.muli %arg1, %mul3A_32 : i32
      %mul3A_34 = arith.constant 64 : i32
      %mul3A_35 = arith.muli %scan3A_31, %mul3A_34 : i32
      %add3A_36 = arith.addi %mul3A_33, %mul3A_35 : i32
      %mul3A_37 = arith.constant 4096 : i32
      %mul3A_38 = arith.muli %arg0, %mul3A_37 : i32
      %add3A_39 = arith.addi %mul3A_38, %add3A_36 : i32
      "tpu.region"() ({
        %run_scoped3A = tpu.sem_alloc : memref<!tpu.dma_semaphore, #tpu.memory_space<semaphore_mem>>
        %dma_start3A_92 = tpu.memref_slice %arg3[%add3A_36] : memref<4096xi32, #tpu.memory_space<hbm>> -> memref<64xi32, #tpu.memory_space<hbm>>
        %dma_start3A_93 = tpu.memref_slice %arg3[%add3A_36] : memref<4096xi32, #tpu.memory_space<hbm>> -> memref<64xi32, #tpu.memory_space<hbm>>
        tpu.enqueue_dma source(%dma_start3A_93 : memref<64xi32, #tpu.memory_space<hbm>>) target(%arg14 : memref<64xi32, #tpu.memory_space<vmem>>) target_semaphore(%run_scoped3A : memref<!tpu.dma_semaphore, #tpu.memory_space<semaphore_mem>>)
        %dma_wait3A_94 = tpu.memref_slice %arg3[%add3A_36] : memref<4096xi32, #tpu.memory_space<hbm>> -> memref<64xi32, #tpu.memory_space<hbm>>
        %dma_wait3A_95 = tpu.memref_slice %arg3[%add3A_36] : memref<4096xi32, #tpu.memory_space<hbm>> -> memref<64xi32, #tpu.memory_space<hbm>>
        tpu.wait_dma2 semaphore(%run_scoped3A : memref<!tpu.dma_semaphore, #tpu.memory_space<semaphore_mem>>) src(%dma_wait3A_95 : memref<64xi32, #tpu.memory_space<hbm>>) dst(%arg14 : memref<64xi32, #tpu.memory_space<vmem>>)
        tpu.yield
      }) : () -> ()
      %get3A = arith.constant 0 : index
      %get3A_40 = tpu.vector_load %arg14[%get3A] {strides = array<i32>} : memref<64xi32, #tpu.memory_space<vmem>>, vector<16xi32>,
      %get3A_41 = vector.shape_cast %get3A_40 : vector<16xi32> to vector<16xi32>
      %mul3A_42 = arith.constant 10240 : i32
      %mul3A_43 = arith.muli %arg0, %mul3A_42 : i32
      %add3A_44 = vector.broadcast %mul3A_43 : i32 to vector<16xi32>
      %add3A_45 = arith.addi %get3A_41, %add3A_44 : vector<16xi32>
      %swap3A = arith.constant 0 : index
      %swap3A_46 = tpu.vector_load %arg15[%swap3A] {strides = array<i32>} : memref<64xi32, #tpu.memory_space<vmem>>, vector<16xi32>,
      %swap3A_47 = vector.shape_cast %swap3A_46 : vector<16xi32> to vector<16xi32>
      %swap3A_48 = vector.shape_cast %add3A_45 : vector<16xi32> to vector<16xi32>
      tpu.vector_store %arg15[%swap3A], %swap3A_48 {strides = array<i32>} : memref<64xi32, #tpu.memory_space<vmem>>, vector<16xi32>,
      %get3A_49 = arith.constant 16 : index
      %get3A_50 = tpu.vector_load %arg14[%get3A_49] {strides = array<i32>} : memref<64xi32, #tpu.memory_space<vmem>>, vector<16xi32>,
      %get3A_51 = vector.shape_cast %get3A_50 : vector<16xi32> to vector<16xi32>
      %mul3A_52 = arith.constant 10240 : i32
      %mul3A_53 = arith.muli %arg0, %mul3A_52 : i32
      %add3A_54 = vector.broadcast %mul3A_53 : i32 to vector<16xi32>
      %add3A_55 = arith.addi %get3A_51, %add3A_54 : vector<16xi32>
      %swap3A_56 = arith.constant 16 : index
      %swap3A_57 = tpu.vector_load %arg15[%swap3A_56] {strides = array<i32>} : memref<64xi32, #tpu.memory_space<vmem>>, vector<16xi32>,
      %swap3A_58 = vector.shape_cast %swap3A_57 : vector<16xi32> to vector<16xi32>
      %swap3A_59 = vector.shape_cast %add3A_55 : vector<16xi32> to vector<16xi32>
      tpu.vector_store %arg15[%swap3A_56], %swap3A_59 {strides = array<i32>} : memref<64xi32, #tpu.memory_space<vmem>>, vector<16xi32>,
      %get3A_60 = arith.constant 32 : index
      %get3A_61 = tpu.vector_load %arg14[%get3A_60] {strides = array<i32>} : memref<64xi32, #tpu.memory_space<vmem>>, vector<16xi32>,
      %get3A_62 = vector.shape_cast %get3A_61 : vector<16xi32> to vector<16xi32>
      %mul3A_63 = arith.constant 10240 : i32
      %mul3A_64 = arith.muli %arg0, %mul3A_63 : i32
      %add3A_65 = vector.broadcast %mul3A_64 : i32 to vector<16xi32>
      %add3A_66 = arith.addi %get3A_62, %add3A_65 : vector<16xi32>
      %swap3A_67 = arith.constant 32 : index
      %swap3A_68 = tpu.vector_load %arg15[%swap3A_67] {strides = array<i32>} : memref<64xi32, #tpu.memory_space<vmem>>, vector<16xi32>,
      %swap3A_69 = vector.shape_cast %swap3A_68 : vector<16xi32> to vector<16xi32>
      %swap3A_70 = vector.shape_cast %add3A_66 : vector<16xi32> to vector<16xi32>
      tpu.vector_store %arg15[%swap3A_67], %swap3A_70 {strides = array<i32>} : memref<64xi32, #tpu.memory_space<vmem>>, vector<16xi32>,
      %get3A_71 = arith.constant 48 : index
      %get3A_72 = tpu.vector_load %arg14[%get3A_71] {strides = array<i32>} : memref<64xi32, #tpu.memory_space<vmem>>, vector<16xi32>,
      %get3A_73 = vector.shape_cast %get3A_72 : vector<16xi32> to vector<16xi32>
      %mul3A_74 = arith.constant 10240 : i32
      %mul3A_75 = arith.muli %arg0, %mul3A_74 : i32
      %add3A_76 = vector.broadcast %mul3A_75 : i32 to vector<16xi32>
      %add3A_77 = arith.addi %get3A_73, %add3A_76 : vector<16xi32>
      %swap3A_78 = arith.constant 48 : index
      %swap3A_79 = tpu.vector_load %arg15[%swap3A_78] {strides = array<i32>} : memref<64xi32, #tpu.memory_space<vmem>>, vector<16xi32>,
      %swap3A_80 = vector.shape_cast %swap3A_79 : vector<16xi32> to vector<16xi32>
      %swap3A_81 = vector.shape_cast %add3A_77 : vector<16xi32> to vector<16xi32>
      tpu.vector_store %arg15[%swap3A_78], %swap3A_81 {strides = array<i32>} : memref<64xi32, #tpu.memory_space<vmem>>, vector<16xi32>,
      %dma_start3A = arith.constant 0 : i32
      %dma_start3A_82 = arith.constant 0 : i32
      %dma_start3A_83 = tpu.memref_slice %arg10[%dma_start3A, %dma_start3A_82] : memref<20480x128xf32, #tpu.memory_space<hbm>> -> memref<20480x128xf32, #tpu.memory_space<hbm>>
      tpu.enqueue_indirect_dma source(%dma_start3A_83 : memref<20480x128xf32, #tpu.memory_space<hbm>>) target(%arg18 : memref<64x128xf32, #tpu.memory_space<vmem>>) offsets(%arg15 : memref<64xi32, #tpu.memory_space<vmem>>) semaphore(%arg21 : memref<!tpu.dma_semaphore, #tpu.memory_space<semaphore_mem>>)
      %dma_wait3A = arith.constant 0 : i32
      %dma_wait3A_84 = arith.constant 0 : i32
      %dma_wait3A_85 = tpu.memref_slice %arg10[%dma_wait3A, %dma_wait3A_84] : memref<20480x128xf32, #tpu.memory_space<hbm>> -> memref<20480x128xf32, #tpu.memory_space<hbm>>
      tpu.wait_indirect_dma semaphore(%arg21 : memref<!tpu.dma_semaphore, #tpu.memory_space<semaphore_mem>>) src(%dma_wait3A_85 : memref<20480x128xf32, #tpu.memory_space<hbm>>) dst(%arg18 : memref<64x128xf32, #tpu.memory_space<vmem>>)
      "tpu.region"() ({
        %run_scoped3A = tpu.sem_alloc : memref<!tpu.dma_semaphore, #tpu.memory_space<semaphore_mem>>
        %dma_start3A_92 = arith.constant 0 : i32
        %dma_start3A_93 = tpu.memref_slice %arg8[%add3A_39, %dma_start3A_92] : memref<8192x128xf32, #tpu.memory_space<hbm>> -> memref<64x128xf32, #tpu.memory_space<hbm>>
        %dma_start3A_94 = arith.constant 0 : i32
        %dma_start3A_95 = tpu.memref_slice %arg8[%add3A_39, %dma_start3A_94] : memref<8192x128xf32, #tpu.memory_space<hbm>> -> memref<64x128xf32, #tpu.memory_space<hbm>>
        tpu.enqueue_dma source(%arg18 : memref<64x128xf32, #tpu.memory_space<vmem>>) target(%dma_start3A_95 : memref<64x128xf32, #tpu.memory_space<hbm>>) target_semaphore(%run_scoped3A : memref<!tpu.dma_semaphore, #tpu.memory_space<semaphore_mem>>)
        %dma_wait3A_96 = arith.constant 0 : i32
        %dma_wait3A_97 = tpu.memref_slice %arg8[%add3A_39, %dma_wait3A_96] : memref<8192x128xf32, #tpu.memory_space<hbm>> -> memref<64x128xf32, #tpu.memory_space<hbm>>
        %dma_wait3A_98 = arith.constant 0 : i32
        %dma_wait3A_99 = tpu.memref_slice %arg8[%add3A_39, %dma_wait3A_98] : memref<8192x128xf32, #tpu.memory_space<hbm>> -> memref<64x128xf32, #tpu.memory_space<hbm>>
        tpu.wait_dma2 semaphore(%run_scoped3A : memref<!tpu.dma_semaphore, #tpu.memory_space<semaphore_mem>>) src(%arg18 : memref<64x128xf32, #tpu.memory_space<vmem>>) dst(%dma_wait3A_99 : memref<64x128xf32, #tpu.memory_space<hbm>>)
        tpu.yield
      }) : () -> ()
      %dma_start3A_86 = arith.constant 0 : i32
      %dma_start3A_87 = arith.constant 0 : i32
      %dma_start3A_88 = tpu.memref_slice %arg4[%dma_start3A_86, %dma_start3A_87] : memref<10000x128xf32, #tpu.memory_space<hbm>> -> memref<10000x128xf32, #tpu.memory_space<hbm>>
      tpu.enqueue_indirect_dma source(%dma_start3A_88 : memref<10000x128xf32, #tpu.memory_space<hbm>>) target(%arg18 : memref<64x128xf32, #tpu.memory_space<vmem>>) offsets(%arg14 : memref<64xi32, #tpu.memory_space<vmem>>) semaphore(%arg21 : memref<!tpu.dma_semaphore, #tpu.memory_space<semaphore_mem>>)
      %dma_wait3A_89 = arith.constant 0 : i32
      %dma_wait3A_90 = arith.constant 0 : i32
      %dma_wait3A_91 = tpu.memref_slice %arg4[%dma_wait3A_89, %dma_wait3A_90] : memref<10000x128xf32, #tpu.memory_space<hbm>> -> memref<10000x128xf32, #tpu.memory_space<hbm>>
      tpu.wait_indirect_dma semaphore(%arg21 : memref<!tpu.dma_semaphore, #tpu.memory_space<semaphore_mem>>) src(%dma_wait3A_91 : memref<10000x128xf32, #tpu.memory_space<hbm>>) dst(%arg18 : memref<64x128xf32, #tpu.memory_space<vmem>>)
      "tpu.region"() ({
        %run_scoped3A = tpu.sem_alloc : memref<!tpu.dma_semaphore, #tpu.memory_space<semaphore_mem>>
        %dma_start3A_92 = arith.constant 0 : i32
        %dma_start3A_93 = tpu.memref_slice %arg9[%add3A_39, %dma_start3A_92] : memref<8192x128xf32, #tpu.memory_space<hbm>> -> memref<64x128xf32, #tpu.memory_space<hbm>>
        %dma_start3A_94 = arith.constant 0 : i32
        %dma_start3A_95 = tpu.memref_slice %arg9[%add3A_39, %dma_start3A_94] : memref<8192x128xf32, #tpu.memory_space<hbm>> -> memref<64x128xf32, #tpu.memory_space<hbm>>
        tpu.enqueue_dma source(%arg18 : memref<64x128xf32, #tpu.memory_space<vmem>>) target(%dma_start3A_95 : memref<64x128xf32, #tpu.memory_space<hbm>>) target_semaphore(%run_scoped3A : memref<!tpu.dma_semaphore, #tpu.memory_space<semaphore_mem>>)
        %dma_wait3A_96 = arith.constant 0 : i32
        %dma_wait3A_97 = tpu.memref_slice %arg9[%add3A_39, %dma_wait3A_96] : memref<8192x128xf32, #tpu.memory_space<hbm>> -> memref<64x128xf32, #tpu.memory_space<hbm>>
        %dma_wait3A_98 = arith.constant 0 : i32
        %dma_wait3A_99 = tpu.memref_slice %arg9[%add3A_39, %dma_wait3A_98] : memref<8192x128xf32, #tpu.memory_space<hbm>> -> memref<64x128xf32, #tpu.memory_space<hbm>>
        tpu.wait_dma2 semaphore(%run_scoped3A : memref<!tpu.dma_semaphore, #tpu.memory_space<semaphore_mem>>) src(%arg18 : memref<64x128xf32, #tpu.memory_space<vmem>>) dst(%dma_wait3A_99 : memref<64x128xf32, #tpu.memory_space<hbm>>)
        tpu.yield
      }) : () -> ()
    }
    %scan3A_30 = arith.constant 4 : i32
    return
  }
}

module attributes {stable_mosaic.version = 14 : i64} {
  func.func @_tc_body(%arg0: i32, %arg1: memref<512x1xi32, #tpu.memory_space<vmem>>, %arg2: memref<512x128xf32, #tpu.memory_space<vmem>>, %arg3: memref<512x128xf32, #tpu.memory_space<vmem>>, %arg4: memref<512x128xf32, #tpu.memory_space<vmem>>, %arg5: memref<160x128xf32, #tpu.memory_space<vmem>>, %arg6: memref<128x128xf32, #tpu.memory_space<vmem>>, %arg7: memref<128x128xf32, #tpu.memory_space<vmem>>, %arg8: memref<128x128xf32, #tpu.memory_space<vmem>>, %arg9: memref<128x128xf32, #tpu.memory_space<vmem>>, %arg10: memref<1x128xf32, #tpu.memory_space<vmem>>, %arg11: memref<1x128xf32, #tpu.memory_space<vmem>>, %arg12: memref<1x1xf32, #tpu.memory_space<vmem>>, %arg13: memref<512x1xf32, #tpu.memory_space<vmem>>) attributes {dimension_semantics = [#tpu.dimension_semantics<arbitrary>], iteration_bounds = array<i64: 8>, scalar_prefetch = 0 : i64, scratch_operands = 0 : i64, tpu.core_type = #tpu.core_type<tc>, window_params = [{transform_indices = @transform_0, window_bounds = array<i64: 512, 1>}, {transform_indices = @transform_1, window_bounds = array<i64: 512, 128>}, {transform_indices = @transform_2, window_bounds = array<i64: 512, 128>}, {transform_indices = @transform_3, window_bounds = array<i64: 512, 128>}, {pipeline_mode = #tpu.pipeline_mode<synchronous>, transform_indices = @transform_4, window_bounds = array<i64: 160, 128>}, {pipeline_mode = #tpu.pipeline_mode<synchronous>, transform_indices = @transform_5, window_bounds = array<i64: 128, 128>}, {pipeline_mode = #tpu.pipeline_mode<synchronous>, transform_indices = @transform_6, window_bounds = array<i64: 128, 128>}, {pipeline_mode = #tpu.pipeline_mode<synchronous>, transform_indices = @transform_7, window_bounds = array<i64: 128, 128>}, {pipeline_mode = #tpu.pipeline_mode<synchronous>, transform_indices = @transform_8, window_bounds = array<i64: 128, 128>}, {pipeline_mode = #tpu.pipeline_mode<synchronous>, transform_indices = @transform_9, window_bounds = array<i64: 1, 128>}, {pipeline_mode = #tpu.pipeline_mode<synchronous>, transform_indices = @transform_10, window_bounds = array<i64: 1, 128>}, {pipeline_mode = #tpu.pipeline_mode<synchronous>, transform_indices = @transform_11, window_bounds = array<i64: 1, 1>}, {transform_indices = @transform_12, window_bounds = array<i64: 512, 1>}]} {
    %get3A = arith.constant 0 : index
    %get3A_0 = arith.constant 0 : index
    %get3A_1 = vector.load %arg1[%get3A, %get3A_0] : memref<512x1xi32, #tpu.memory_space<vmem>>, vector<512x1xi32>
    %get3A_2 = arith.constant 0 : index
    %get3A_3 = arith.constant 0 : index
    %get3A_4 = vector.load %arg5[%get3A_2, %get3A_3] : memref<160x128xf32, #tpu.memory_space<vmem>>, vector<80x128xf32>
    %get3A_5 = arith.constant 80 : index
    %get3A_6 = arith.constant 0 : index
    %get3A_7 = vector.load %arg5[%get3A_5, %get3A_6] : memref<160x128xf32, #tpu.memory_space<vmem>>, vector<80x128xf32>
    %add3A = arith.addf %get3A_4, %get3A_7 : vector<80x128xf32>
    %jit3A = arith.constant 128 : i32
    %div3A = vector.broadcast %jit3A : i32 to vector<512x1xi32>
    %div3A_8 = arith.divsi %get3A_1, %div3A : vector<512x1xi32>
    %sign3A = arith.constant 0 : i32
    %sign3A_9 = vector.broadcast %sign3A : i32 to vector<512x1xi32>
    %sign3A_10 = arith.cmpi sgt, %get3A_1, %sign3A_9 : vector<512x1xi32>
    %sign3A_11 = arith.extui %sign3A_10 : vector<512x1xi1> to vector<512x1xi32>
    %sign3A_12 = arith.constant 0 : i32
    %sign3A_13 = vector.broadcast %sign3A_12 : i32 to vector<512x1xi32>
    %sign3A_14 = arith.cmpi slt, %get3A_1, %sign3A_13 : vector<512x1xi32>
    %sign3A_15 = arith.extui %sign3A_14 : vector<512x1xi1> to vector<512x1xi32>
    %sign3A_16 = arith.subi %sign3A_11, %sign3A_15 : vector<512x1xi32>
    %sign3A_17 = arith.constant 0 : i32
    %sign3A_18 = arith.cmpi sgt, %jit3A, %sign3A_17 : i32
    %sign3A_19 = arith.extui %sign3A_18 : i1 to i32
    %sign3A_20 = arith.constant 0 : i32
    %sign3A_21 = arith.cmpi slt, %jit3A, %sign3A_20 : i32
    %sign3A_22 = arith.extui %sign3A_21 : i1 to i32
    %sign3A_23 = arith.subi %sign3A_19, %sign3A_22 : i32
    %ne3A = vector.broadcast %sign3A_23 : i32 to vector<512x1xi32>
    %ne3A_24 = arith.cmpi ne, %sign3A_16, %ne3A : vector<512x1xi32>
    %rem3A = vector.broadcast %jit3A : i32 to vector<512x1xi32>
    %rem3A_25 = arith.remsi %get3A_1, %rem3A : vector<512x1xi32>
    %ne3A_26 = arith.constant 0 : i32
    %ne3A_27 = vector.broadcast %ne3A_26 : i32 to vector<512x1xi32>
    %ne3A_28 = arith.cmpi ne, %rem3A_25, %ne3A_27 : vector<512x1xi32>
    %and3A = arith.andi %ne3A_24, %ne3A_28 : vector<512x1xi1>
    %sub3A = arith.constant 1 : i32
    %sub3A_29 = vector.broadcast %sub3A : i32 to vector<512x1xi32>
    %sub3A_30 = arith.subi %div3A_8, %sub3A_29 : vector<512x1xi32>
    %select_n3A = arith.select %and3A, %sub3A_30, %div3A_8 : vector<512x1xi1>, vector<512x1xi32>
    %jit3A_31 = arith.constant 128 : i32
    %eq3A = arith.constant 0 : i32
    %eq3A_32 = arith.cmpi eq, %jit3A_31, %eq3A : i32
    %jit3A_33 = arith.constant 1 : i32
    %select_n3A_34 = arith.select %eq3A_32, %jit3A_33, %jit3A_31 : i32
    %rem3A_35 = vector.broadcast %select_n3A_34 : i32 to vector<512x1xi32>
    %rem3A_36 = arith.remsi %get3A_1, %rem3A_35 : vector<512x1xi32>
    %ne3A_37 = arith.constant 0 : i32
    %ne3A_38 = vector.broadcast %ne3A_37 : i32 to vector<512x1xi32>
    %ne3A_39 = arith.cmpi ne, %rem3A_36, %ne3A_38 : vector<512x1xi32>
    %lt3A = arith.constant 0 : i32
    %lt3A_40 = vector.broadcast %lt3A : i32 to vector<512x1xi32>
    %lt3A_41 = arith.cmpi slt, %rem3A_36, %lt3A_40 : vector<512x1xi32>
    %lt3A_42 = arith.constant 0 : i32
    %lt3A_43 = arith.cmpi slt, %select_n3A_34, %lt3A_42 : i32
    %ne3A_44 = vector.broadcast %lt3A_43 : i1 to vector<512x1xi1>
    %ne3A_45 = vector.broadcast %ne3A_44 : vector<512x1xi1> to vector<512x1xi1>
    %ne3A_46 = arith.xori %lt3A_41, %ne3A_45 : vector<512x1xi1>
    %and3A_47 = arith.andi %ne3A_46, %ne3A_39 : vector<512x1xi1>
    %add3A_48 = vector.broadcast %select_n3A_34 : i32 to vector<512x1xi32>
    %add3A_49 = arith.addi %rem3A_36, %add3A_48 : vector<512x1xi32>
    %select_n3A_50 = arith.select %and3A_47, %add3A_49, %rem3A_36 : vector<512x1xi1>, vector<512x1xi32>
    %iota3A = tpu.iota {dimensions = array<i32: 1>} : vector<512x80xi32>
    %eq3A_51 = vector.broadcast %select_n3A : vector<512x1xi32> to vector<512x80xi32>
    %eq3A_52 = arith.cmpi eq, %eq3A_51, %iota3A : vector<512x80xi32>
    %convert_element_type3A = arith.extui %eq3A_52 : vector<512x80xi1> to vector<512x80xi32>
    %convert_element_type3A_53 = arith.sitofp %convert_element_type3A : vector<512x80xi32> to vector<512x80xf32>
    %dot_general3A = arith.constant dense<0.000000e+00> : vector<512x128xf32>
    %dot_general3A_54 = tpu.matmul %convert_element_type3A_53, %add3A, %dot_general3A {dimension_numbers = #tpu.dot_dimension_numbers<[1], [0], [0], [1], [0, 0, 1, 1], [], []>, transpose_lhs_hint = false} : vector<512x80xf32>, vector<80x128xf32>, vector<512x128xf32> -> vector<512x128xf32>
    %iota3A_55 = tpu.iota {dimensions = array<i32: 1>} : vector<512x128xi32>
    %eq3A_56 = vector.broadcast %select_n3A_50 : vector<512x1xi32> to vector<512x128xi32>
    %eq3A_57 = arith.cmpi eq, %eq3A_56, %iota3A_55 : vector<512x128xi32>
    %convert_element_type3A_58 = arith.extui %eq3A_57 : vector<512x128xi1> to vector<512x128xi32>
    %convert_element_type3A_59 = arith.sitofp %convert_element_type3A_58 : vector<512x128xi32> to vector<512x128xf32>
    %mul3A = arith.mulf %dot_general3A_54, %convert_element_type3A_59 : vector<512x128xf32>
    %reduce_sum3A = arith.constant dense<0.000000e+00> : vector<512xf32>
    %reduce_sum3A_60 = vector.multi_reduction <add>, %mul3A, %reduce_sum3A [1] : vector<512x128xf32> to vector<512xf32>
    %broadcast_in_dim3A = vector.shape_cast %reduce_sum3A_60 : vector<512xf32> to vector<512x1xf32>
    %max3A = arith.constant 1.000000e+00 : f32
    %max3A_61 = vector.broadcast %max3A : f32 to vector<512x1xf32>
    %max3A_62 = arith.maximumf %broadcast_in_dim3A, %max3A_61 : vector<512x1xf32>
    %get3A_63 = arith.constant 0 : index
    %get3A_64 = arith.constant 0 : index
    %get3A_65 = vector.load %arg3[%get3A_63, %get3A_64] : memref<512x128xf32, #tpu.memory_space<vmem>>, vector<512x128xf32>
    %get3A_66 = arith.constant 0 : index
    %get3A_67 = arith.constant 0 : index
    %get3A_68 = vector.load %arg4[%get3A_66, %get3A_67] : memref<512x128xf32, #tpu.memory_space<vmem>>, vector<512x128xf32>
    %add3A_69 = arith.addf %get3A_65, %get3A_68 : vector<512x128xf32>
    %div3A_70 = vector.broadcast %max3A_62 : vector<512x1xf32> to vector<512x128xf32>
    %div3A_71 = arith.divf %add3A_69, %div3A_70 : vector<512x128xf32>
    %get3A_72 = arith.constant 0 : index
    %get3A_73 = arith.constant 0 : index
    %get3A_74 = vector.load %arg2[%get3A_72, %get3A_73] : memref<512x128xf32, #tpu.memory_space<vmem>>, vector<512x128xf32>
    %get3A_75 = arith.constant 0 : index
    %get3A_76 = arith.constant 0 : index
    %get3A_77 = vector.load %arg6[%get3A_75, %get3A_76] : memref<128x128xf32, #tpu.memory_space<vmem>>, vector<128x128xf32>
    %dot_general3A_78 = arith.constant dense<0.000000e+00> : vector<512x128xf32>
    %dot_general3A_79 = tpu.matmul %get3A_74, %get3A_77, %dot_general3A_78 {dimension_numbers = #tpu.dot_dimension_numbers<[1], [0], [0], [1], [0, 0, 1, 1], [], []>, transpose_lhs_hint = false} : vector<512x128xf32>, vector<128x128xf32>, vector<512x128xf32> -> vector<512x128xf32>
    %get3A_80 = arith.constant 0 : index
    %get3A_81 = arith.constant 0 : index
    %get3A_82 = vector.load %arg7[%get3A_80, %get3A_81] : memref<128x128xf32, #tpu.memory_space<vmem>>, vector<128x128xf32>
    %dot_general3A_83 = arith.constant dense<0.000000e+00> : vector<512x128xf32>
    %dot_general3A_84 = tpu.matmul %div3A_71, %get3A_82, %dot_general3A_83 {dimension_numbers = #tpu.dot_dimension_numbers<[1], [0], [0], [1], [0, 0, 1, 1], [], []>, transpose_lhs_hint = false} : vector<512x128xf32>, vector<128x128xf32>, vector<512x128xf32> -> vector<512x128xf32>
    %add3A_85 = arith.addf %dot_general3A_79, %dot_general3A_84 : vector<512x128xf32>
    %max3A_86 = arith.constant 0.000000e+00 : f32
    %max3A_87 = vector.broadcast %max3A_86 : f32 to vector<512x128xf32>
    %max3A_88 = arith.maximumf %add3A_85, %max3A_87 : vector<512x128xf32>
    %get3A_89 = arith.constant 0 : index
    %get3A_90 = arith.constant 0 : index
    %get3A_91 = vector.load %arg8[%get3A_89, %get3A_90] : memref<128x128xf32, #tpu.memory_space<vmem>>, vector<128x128xf32>
    %dot_general3A_92 = arith.constant dense<0.000000e+00> : vector<512x128xf32>
    %dot_general3A_93 = tpu.matmul %max3A_88, %get3A_91, %dot_general3A_92 {dimension_numbers = #tpu.dot_dimension_numbers<[1], [0], [0], [1], [0, 0, 1, 1], [], []>, transpose_lhs_hint = false} : vector<512x128xf32>, vector<128x128xf32>, vector<512x128xf32> -> vector<512x128xf32>
    %get3A_94 = arith.constant 0 : index
    %get3A_95 = arith.constant 0 : index
    %get3A_96 = vector.load %arg9[%get3A_94, %get3A_95] : memref<128x128xf32, #tpu.memory_space<vmem>>, vector<128x128xf32>
    %dot_general3A_97 = arith.constant dense<0.000000e+00> : vector<512x128xf32>
    %dot_general3A_98 = tpu.matmul %dot_general3A_93, %get3A_96, %dot_general3A_97 {dimension_numbers = #tpu.dot_dimension_numbers<[1], [0], [0], [1], [0, 0, 1, 1], [], []>, transpose_lhs_hint = false} : vector<512x128xf32>, vector<128x128xf32>, vector<512x128xf32> -> vector<512x128xf32>
    %get3A_99 = arith.constant 0 : index
    %get3A_100 = arith.constant 0 : index
    %get3A_101 = vector.load %arg10[%get3A_99, %get3A_100] : memref<1x128xf32, #tpu.memory_space<vmem>>, vector<1x128xf32>
    %add3A_102 = vector.broadcast %get3A_101 : vector<1x128xf32> to vector<512x128xf32>
    %add3A_103 = arith.addf %dot_general3A_98, %add3A_102 : vector<512x128xf32>
    %max3A_104 = arith.constant 0.000000e+00 : f32
    %max3A_105 = vector.broadcast %max3A_104 : f32 to vector<512x128xf32>
    %max3A_106 = arith.maximumf %add3A_103, %max3A_105 : vector<512x128xf32>
    %get3A_107 = arith.constant 0 : index
    %get3A_108 = arith.constant 0 : index
    %get3A_109 = vector.load %arg11[%get3A_107, %get3A_108] : memref<1x128xf32, #tpu.memory_space<vmem>>, vector<1x128xf32>
    %mul3A_110 = vector.broadcast %get3A_109 : vector<1x128xf32> to vector<512x128xf32>
    %mul3A_111 = arith.mulf %max3A_106, %mul3A_110 : vector<512x128xf32>
    %reduce_sum3A_112 = arith.constant dense<0.000000e+00> : vector<512xf32>
    %reduce_sum3A_113 = vector.multi_reduction <add>, %mul3A_111, %reduce_sum3A_112 [1] : vector<512x128xf32> to vector<512xf32>
    %broadcast_in_dim3A_114 = vector.shape_cast %reduce_sum3A_113 : vector<512xf32> to vector<512x1xf32>
    %get3A_115 = arith.constant 0 : index
    %get3A_116 = arith.constant 0 : index
    %get3A_117 = vector.load %arg12[%get3A_115, %get3A_116] : memref<1x1xf32, #tpu.memory_space<vmem>>, vector<1x1xf32>
    %add3A_118 = vector.broadcast %get3A_117 : vector<1x1xf32> to vector<512x1xf32>
    %add3A_119 = arith.addf %broadcast_in_dim3A_114, %add3A_118 : vector<512x1xf32>
    %neg3A = arith.constant 0.000000e+00 : f32
    %neg3A_120 = vector.broadcast %neg3A : f32 to vector<512x1xf32>
    %neg3A_121 = arith.subf %neg3A_120, %add3A_119 : vector<512x1xf32>
    %exp3A = math.exp %neg3A_121 : vector<512x1xf32>
    %add3A_122 = arith.constant 1.000000e+00 : f32
    %add3A_123 = vector.broadcast %add3A_122 : f32 to vector<512x1xf32>
    %add3A_124 = arith.addf %add3A_123, %exp3A : vector<512x1xf32>
    %div3A_125 = arith.constant 1.000000e+00 : f32
    %div3A_126 = vector.broadcast %div3A_125 : f32 to vector<512x1xf32>
    %div3A_127 = arith.divf %div3A_126, %add3A_124 : vector<512x1xf32>
    %swap3A = arith.constant 0 : index
    %swap3A_128 = arith.constant 0 : index
    %swap3A_129 = vector.load %arg13[%swap3A, %swap3A_128] : memref<512x1xf32, #tpu.memory_space<vmem>>, vector<512x1xf32>
    tpu.vector_store %arg13[%swap3A, %swap3A_128], %div3A_127 {strides = array<i32>} : memref<512x1xf32, #tpu.memory_space<vmem>>, vector<512x1xf32>,
    return
  }
  func.func @transform_0(%arg0: i32) -> (i32, i32) {
    %c0_i32 = arith.constant 0 : i32
    %c0_i32_0 = arith.constant 0 : i32
    return %arg0, %c0_i32 : i32, i32
  }
  func.func @transform_1(%arg0: i32) -> (i32, i32) {
    %c0_i32 = arith.constant 0 : i32
    %c0_i32_0 = arith.constant 0 : i32
    return %arg0, %c0_i32 : i32, i32
  }
  func.func @transform_2(%arg0: i32) -> (i32, i32) {
    %c0_i32 = arith.constant 0 : i32
    %c0_i32_0 = arith.constant 0 : i32
    return %arg0, %c0_i32 : i32, i32
  }
  func.func @transform_3(%arg0: i32) -> (i32, i32) {
    %c0_i32 = arith.constant 0 : i32
    %c0_i32_0 = arith.constant 0 : i32
    return %arg0, %c0_i32 : i32, i32
  }
  func.func @transform_4(%arg0: i32) -> (i32, i32) {
    %c0_i32 = arith.constant 0 : i32
    %c0_i32_0 = arith.constant 0 : i32
    %c0_i32_1 = arith.constant 0 : i32
    return %c0_i32, %c0_i32_0 : i32, i32
  }
  func.func @transform_5(%arg0: i32) -> (i32, i32) {
    %c0_i32 = arith.constant 0 : i32
    %c0_i32_0 = arith.constant 0 : i32
    %c0_i32_1 = arith.constant 0 : i32
    return %c0_i32, %c0_i32_0 : i32, i32
  }
  func.func @transform_6(%arg0: i32) -> (i32, i32) {
    %c0_i32 = arith.constant 0 : i32
    %c0_i32_0 = arith.constant 0 : i32
    %c0_i32_1 = arith.constant 0 : i32
    return %c0_i32, %c0_i32_0 : i32, i32
  }
  func.func @transform_7(%arg0: i32) -> (i32, i32) {
    %c0_i32 = arith.constant 0 : i32
    %c0_i32_0 = arith.constant 0 : i32
    %c0_i32_1 = arith.constant 0 : i32
    return %c0_i32, %c0_i32_0 : i32, i32
  }
  func.func @transform_8(%arg0: i32) -> (i32, i32) {
    %c0_i32 = arith.constant 0 : i32
    %c0_i32_0 = arith.constant 0 : i32
    %c0_i32_1 = arith.constant 0 : i32
    return %c0_i32, %c0_i32_0 : i32, i32
  }
  func.func @transform_9(%arg0: i32) -> (i32, i32) {
    %c0_i32 = arith.constant 0 : i32
    %c0_i32_0 = arith.constant 0 : i32
    %c0_i32_1 = arith.constant 0 : i32
    return %c0_i32, %c0_i32_0 : i32, i32
  }
  func.func @transform_10(%arg0: i32) -> (i32, i32) {
    %c0_i32 = arith.constant 0 : i32
    %c0_i32_0 = arith.constant 0 : i32
    %c0_i32_1 = arith.constant 0 : i32
    return %c0_i32, %c0_i32_0 : i32, i32
  }
  func.func @transform_11(%arg0: i32) -> (i32, i32) {
    %c0_i32 = arith.constant 0 : i32
    %c0_i32_0 = arith.constant 0 : i32
    %c0_i32_1 = arith.constant 0 : i32
    return %c0_i32, %c0_i32_0 : i32, i32
  }
  func.func @transform_12(%arg0: i32) -> (i32, i32) {
    %c0_i32 = arith.constant 0 : i32
    %c0_i32_0 = arith.constant 0 : i32
    return %arg0, %c0_i32 : i32, i32
  }
}

</mosaic_0001>

<sc_bundles>
// kernel: kernel.4.cloned.1.call-start
scs
__scs_entry_jumppad:
0x0: {  	(pc) =	sbr.rel $0x88, $3  }
0x1: {  	(tag) =	ssettag $0x0;
	lr =	simm.s32 $0x1  }
0x2: {  	[smem:$0x3F98] =	sst lr;
	_ =	strace $0xD0000000  }
0x3: {  	_ = 	snop  }
0x4: {  	_ = 	snop  }
0x5: {  	_ = 	snop  }
0x6: {  	_ = 	snop  }
0x7: {  	_ = 	snop  }
__scs_overlays_trampoline_lowered:
0x8: {  	[smem:$0x3FA7] =	sst s0  }
0x9: {  	[smem:$0x3FA8] =	sst s1  }
0xa: {  	[smem:$0x3FA9] =	sst s2  }
0xb: {  	[smem:$0x3FAA] =	sst s3  }
0xc: {  	[smem:$0x3FAB] =	sst s4  }
0xd: {  	[smem:$0x3FAC] =	sst s5  }
0xe: {  	[smem:$0x3FAD] =	sst s6  }
0xf: {  	[smem:$0x3FAE] =	sst s7  }
0x10: {  	[smem:$0x3FAF] =	sst s8  }
0x11: {  	[smem:$0x3FB0] =	sst s9;
	s0 =	simm.s32 @!p0 $0x0  }
0x12: {  	s1 =	sld [smem:$0x3F96];
	s0 =	simm.s32 @p0 $0x1  }
0x13: {  	[smem:$0x3FB1] =	sst s0;
	s0 =	simm.s32 @!p1 $0x0  }
0x14: {  	s2 =	sld [smem:$0x3F95];
	s0 =	simm.s32 @p1 $0x1  }
0x15: {  	[smem:$0x3FB2] =	sst s0;
	s0 =	simm.s32 @!p2 $0x0  }
0x16: {  	s3 =	sld [smem:$0x3FDB];
	s0 =	simm.s32 @p2 $0x1  }
0x17: {  	s4 =	simm.s32 $0x1BF5;
	[smem:$0x3FB4] =	sst s0  }
0x18: {  	s0 =	sld [smem:$0x3F97];
	_ =	swait.ge [sflag:s4], $0x0  }
0x19: {  	s7 =	sld [smem:$0x3F98]  }
0x1a: {  	s8 =	sadd.s32 $0xFFFFE003, lr  }
0x1b: {  	s9 =	sadd.s32 $0xFFFFFEF7, lr;
	s5 =	simm.s32 $0xFFFFFFFF;
	p2 =	slt.u32 s8, $0xFFFFF086  }
0x1c: {  	p1 =	slt.u32 s9, $0xF7A;
	s5 =	simm.s32 @!p2 $0x0  }
0x1d: {  	s5 =	simm.s32 @p1 $0x1;
	p0 =	seq.s32 s7, s2  }
0x1e: {  	s7 =	smul.u32 @!p0 $0xF7A, s2;
	p2 =	seq.s32 @!p0 s5, $0x0  }
0x1f: {  	s9 =	smul.u32 $0xF7A, s1;
	s8 =	simm.s32 @!p0 $0x1BF5;
	p2 =	por !p2, p0  }
0x20: {  	[sflag:s8] =	ssyncset.s32 @!p0 $0xFFFFF086;
	s6 =	sadd.s32 @!p0 s3, s7;
	s7 =	simm.s32 @!p0 $0x108  }
0x21: {  	s3 =	sadd.s32 s3, s9;
	s6 =	sadd.s32 @!p0 $0x88, s6;
	s7 =	simm.s32 @p2 $0x1082  }
0x22: {  	[simem:s7], [sflag:s8] =	dma.local @!p0 [hbm:s6], $0xF7A  }
0x23: {  	s9 =	sor.u32 $0xD0000000, s2;
	s6 =	simm.s32 $0x108;
	_ =	swait.ge @!p0 [sflag:s8], $0x0  }
0x24: {  	s3 =	sadd.s32 $0x88, s3;
	s6 =	simm.s32 @!p1 $0x1082;
	[sflag:s4] =	ssyncset.s32 $0xFFFFF086  }
0x25: {  	[simem:s6], [sflag:s4] =	dma.local [hbm:s3], $0xF7A  }
0x26: {  	[smem:$0x3F98] =	sst s1;
	(tag) =	ssettag s2;
	_ =	strace s9  }
0x27: {  	s1 =	sld [smem:$0x3FA8]  }
0x28: {  	s2 =	sld [smem:$0x3FA9]  }
0x29: {  	s4 =	sld [smem:$0x3FAB]  }
0x2a: {  	p0 =	seq.s32 s5, $0x0;
	s5 =	sld [smem:$0x3FAC]  }
0x2b: {  	s6 =	sld [smem:$0x3FAD]  }
0x2c: {  	s7 =	sld [smem:$0x3FAE]  }
0x2d: {  	s3 =	simm.s32 $0x108;
	s8 =	sld [smem:$0x3FAF]  }
0x2e: {  	s3 =	simm.s32 @!p0 $0x1082;
	s9 =	sld [smem:$0x3FB0]  }
0x2f: {  	lr =	sadd.s32 s0, s3;
	s0 =	sld [smem:$0x3FA7]  }
0x30: {  	s3 =	sld [smem:$0x3FAA]  }
0x31: {  	[smem:$0x3FB3] =	sst s10  }
0x32: {  	s10 =	sld [smem:$0x3FB1];
	_ =	sdelay $0x3  }
0x33: {  	p0 =	seq.s32 s10, $0x1;
	s10 =	sld [smem:$0x3FB3];
	_ =	sdelay $0x3  }
0x34: {  	[smem:$0x3FB3] =	sst s10  }
0x35: {  	s10 =	sld [smem:$0x3FB2];
	_ =	sdelay $0x3  }
0x36: {  	p1 =	seq.s32 s10, $0x1;
	s10 =	sld [smem:$0x3FB3];
	_ =	sdelay $0x3  }
0x37: {  	[smem:$0x3FB3] =	sst s10  }
0x38: {  	s10 =	sld [smem:$0x3FB4]  }
0x39: {  	_ = 	snop;
	(pc) =	sbr.ind lr, $3  }
0x3a: {  	_ = 	snop  }
0x3b: {  	_ = 	snop  }
0x3c: {  	p2 =	seq.s32 s10, $0x1;
	s10 =	sld [smem:$0x3FB3]  }
0x3d: {  	_ =	shalt  }
0x3e: {  	_ =	shalt  }
0x3f: {  	_ =	shalt  }
0x40: {  	_ =	shalt  }
0x41: {  	_ =	shalt  }
0x42: {  	_ =	shalt  }
0x43: {  	_ =	shalt  }
0x44: {  	_ =	shalt  }
0x45: {  	_ =	shalt  }
0x46: {  	_ =	shalt  }
0x47: {  	_ =	shalt  }
0x48: {  	_ =	shalt  }
0x49: {  	_ =	shalt  }
0x4a: {  	_ =	shalt  }
0x4b: {  	_ =	shalt  }
0x4c: {  	_ =	shalt  }
0x4d: {  	_ =	shalt  }
0x4e: {  	_ =	shalt  }
0x4f: {  	_ =	shalt  }
0x50: {  	_ =	shalt  }
0x51: {  	_ =	shalt  }
0x52: {  	_ =	shalt  }
0x53: {  	_ =	shalt  }
0x54: {  	_ =	shalt  }
0x55: {  	_ =	shalt  }
0x56: {  	_ =	shalt  }
0x57: {  	_ =	shalt  }
0x58: {  	_ =	shalt  }
0x59: {  	_ =	shalt  }
0x5a: {  	_ =	shalt  }
0x5b: {  	_ =	shalt  }
0x5c: {  	_ =	shalt  }
0x5d: {  	_ =	shalt  }
0x5e: {  	_ =	shalt  }
0x5f: {  	_ =	shalt  }
0x60: {  	_ =	shalt  }
0x61: {  	_ =	shalt  }
0x62: {  	_ =	shalt  }
0x63: {  	_ =	shalt  }
0x64: {  	_ =	shalt  }
0x65: {  	_ =	shalt  }
0x66: {  	_ =	shalt  }
0x67: {  	_ =	shalt  }
0x68: {  	_ =	shalt  }
0x69: {  	_ =	shalt  }
0x6a: {  	_ =	shalt  }
0x6b: {  	_ =	shalt  }
0x6c: {  	_ =	shalt  }
0x6d: {  	_ =	shalt  }
0x6e: {  	_ =	shalt  }
0x6f: {  	_ =	shalt  }
0x70: {  	_ =	shalt  }
0x71: {  	_ =	shalt  }
0x72: {  	_ =	shalt  }
0x73: {  	_ =	shalt  }
0x74: {  	_ =	shalt  }
0x75: {  	_ =	shalt  }
0x76: {  	_ =	shalt  }
0x77: {  	_ =	shalt  }
0x78: {  	_ =	shalt  }
0x79: {  	_ =	shalt  }
0x7a: {  	_ =	shalt  }
0x7b: {  	_ =	shalt  }
0x7c: {  	_ =	shalt  }
0x7d: {  	_ =	shalt  }
0x7e: {  	_ =	shalt  }
0x7f: {  	_ =	shalt  }
0x80: {  	_ =	shalt  }
0x81: {  	_ =	shalt  }
0x82: {  	_ =	shalt  }
0x83: {  	_ =	shalt  }
0x84: {  	_ =	shalt  }
0x85: {  	_ =	shalt  }
0x86: {  	_ =	shalt  }
0x87: {  	_ =	shalt  }
.Lfunc_end0:
.L_simem_size_0:
called_computation_lowered:
.L_overlay_start_0:
0x88: {  	s2 =	sld [smem:$0x3FD9]  }
0x89: {  	s3 =	sld [smem:$0x3FFE];
	_ =	sdelay $0x1  }
0x8a: {  	s1 =	srdreg.scid  }
0x8b: {  	s0 =	sand.u32 $0x1, s1  }
0x8c: {  	s17 =	sshll.u32 s0, $0xA;
	s2 =	sadd.s32 s3, s2  }
0x8d: {  	s2 =	sadd.s32 s2, s17  }
0x8e: {  	[smem:$0x3FBF] =	sst s2  }
0x8f: {  	_ = 	snop  }
0x90: {  	s2 =	sld [smem:$0x3FC9]  }
0x91: {  	s18 =	sld [smem:$0x3FC8]  }
0x92: {  	s4 =	sld [smem:$0x3FD0];
	(tm) =	ssettm $0x1  }
0x93: {  	s5 =	sld [smem:$0x3FFB];
	_ =	sdelay $0x3  }
0x94: {  	_ =	strace s5  }
0x95: {  	s5 =	sld [smem:$0x3FFC];
	_ =	sdelay $0x3  }
0x96: {  	_ =	strace s5  }
0x97: {  	s5 =	sld [smem:$0x3FFD];
	_ =	sdelay $0x3  }
0x98: {  	_ =	strace s5  }
0x99: {  	_ =	strace $0x8FFFFFFF  }
0x9a: {  	s19 =	sld [smem:$0x3FDB];
	_ =	sdelay $0x1  }
0x9b: {  	s6 =	simm.s32 $_scs_section_size  }
0x9c: {  	s7 =	simm.s32 $_size__tile_overlayer_lowered;
	s8 =	simm.s32 $_tile_overlayer_lowered  }
0x9d: {  	s22 =	simm.s32 $0x1BFF;
	s21 =	sshll.u32 s8, $0x1;
	s5 =	sadd.s32 s6, s19  }
0x9e: {  	s9 =	simm.s32 $0x0;
	s20 =	sshll.u32 s7, $0x1;
	s7 =	sadd.s32 s21, s5  }
0x9f: {  	[timem:s9], [sflag:s22] =	dma.local [hbm:s7], s20  }
0xa0: {  	_ =	swait.ge [sflag:s22], s20  }
0xa1: {  	s6 =	ssub.s32 $0x0, s20;
	[sflag:s22] =	ssyncset.done $0x0  }
0xa2: {  	[sflag:s22] =	ssyncadd.s32 s6;
	_ =	sdelay $0x1  }
0xa3: {  	s23 =	simm.s32 $0x1B8B  }
0xa4: {  	_ =	swait.ge [sflag:s23], $0x1  }
0xa5: {  	[sflag:s23] =	ssyncset.done $0x0  }
0xa6: {  	s25 =	simm.s32 $0x1B8E;
	s24 =	sld [smem:$0x3FFE];
	[sflag:s23] =	ssyncadd.s32 $0xFFFFFFFF  }
0xa7: {  	s26 =	simm.s32 $execute0_lowered;
	[smem:$0x3FD2] =	sst s25  }
0xa8: {  	s7 =	sshll.u32 s26, $0x1;
	_ =	strace $0x80000046;
	[dreg:$0x1] =	wrdreg $0xFFFFFFFF  }
0xa9: {  	s28 =	simm.s32 $_size_execute0_lowered;
	s5 =	sadd.s32 s5, s7;
	[dreg:$0x0] =	wrdreg $0x0  }
0xaa: {  	s7 =	sshll.u32 s28, $0x1;
	[dreg:$0x2] =	wrdreg s5  }
0xab: {  	[dreg:$0x3] =	wrdreg s7  }
0xac: {  	[dreg:$0x4] =	wrdreg $0xC0  }
0xad: {  	_ =	task [dreg:s9], $0x5FFFF  }
0xae: {  	[dreg:$0x1] =	wrdreg $0xFFFFFFFF  }
0xaf: {  	[dreg:$0x0] =	wrdreg $0x60  }
0xb0: {  	[dreg:$0x2] =	wrdreg s24  }
0xb1: {  	[dreg:$0x3] =	wrdreg s2  }
0xb2: {  	[dreg:$0x4] =	wrdreg s18  }
0xb3: {  	[dreg:$0x5] =	wrdreg s4  }
0xb4: {  	[dreg:$0x6] =	wrdreg $0x0  }
0xb5: {  	[dreg:$0x7] =	wrdreg $0x140000  }
0xb6: {  	[dreg:$0x8] =	wrdreg $0x9  }
0xb7: {  	_ =	task.clear_ibuf [dreg:s9], $0x9FFFF;
	_ =	strace $0x90000046  }
0xb8: {  	s29 =	simm.s32 $0x9;
	_ =	strace $0x80000048  }
0xb9: {  	_ =	swait.ge [sflag:s29], $0x1  }
0xba: {  	[sflag:s29] =	ssyncadd.s32 $0xFFFFFFFF  }
0xbb: {  	_ =	strace $0x90000048  }
0xbc: {  	_ =	sfence  }
0xbd: {  	s30 =	sld [smem:$0x0];
	_ =	sdelay $0x2  }
0xbe: {  	s31 =	sshll.u32 s1, $0xD;
	s1 =	sshrl.u32 s1, $0x2  }
0xbf: {  	s3 =	sand.u32 $0x4000, s31;
	s1 =	sadd.s32 s1, s30  }
0xc0: {  	s0 =	sor.u32 s3, s0;
	s1 =	sshll.u32 s1, $0x11  }
0xc1: {  	s0 =	sor.u32 s1, s0  }
0xc2: {  	s0 =	sadd.s32 $0x8F2B, s0  }
0xc3: {  	[sflag:s0] =	ssyncadd.remote.s32 $0x1  }
0xc4: {  	_ =	sfence.sel $0xFFFF  }
0xc5: {  	[dreg:$0x0] =	wrdreg $0xFFFFFFFF;
	(pc) =	sbr.abs _section_cstart, $3  }
0xc6: {  	[dreg:$0x1] =	wrdreg $0xFFFFFFFF  }
0xc7: {  	_ =	task.clear_ibuf [dreg:s9], $0x2FFFF;
	_ =	strace $0x9FFFFFFF  }
0xc8: {  	(tm) =	ssettm $0x7FFFFFFF  }
0xc9: {  	_ =	shalt  }
tec
execute0_lowered:
.L_overlay_start_1:
0x0: {  	(tag) =	ssettag $0x1  }
0x1: {  	s0 =	rddreg [dreg:$0x0]  }
0x2: {  	s2 =	rddreg [dreg:$0x1]  }
0x3: {  	s1 =	rddreg [dreg:$0x2]  }
0x4: {  	s3 =	rddreg [dreg:$0x4]  }
0x5: {  	s4 =	rddreg [dreg:$0x5];
	s5 =	srdreg.scid  }
0x6: {  	s6 =	simm.s32 $0x0;
	s15 =	stileid.u32;
	s29 =	simm.s32 $0x2  }
0x7: {  	s30 =	simm.s32 $0x16480;
	s31 =	simm.s32 $0x16700;
	s5 =	sand.u32 $0x1, s5  }
0x8: {  	[smem:$0x7FF] =	sst s6;
	s8 =	smul.u32 $0x280, s15;
	s9 =	sadd.s32 $0x14E00, s0  }
0x9: {  	s19 =	sadd.s32 $0x15200, s0;
	s10 =	smul.u32 $0x50000, s15;
	s22 =	sshll.u32 s15, $0x4  }
0xa: {  	s18 =	sshll.u32 s15, $0xC;
	_ =	strace $0x80000047;
	[dreg:$0x7] =	wrdreg s9  }
0xb: {  	s7 =	sshll.u32 s5, $0x8;
	s11 =	smul.u32 $0x2800, s5;
	[dreg:$0x8] =	wrdreg s19  }
0xc: {  	s20 =	sshll.u32 s5, $0x10;
	s9 =	sadd.s32 $0x15400, s0;
	s5 =	ssub.s32 $0x2, s5  }
0xd: {  	s7 =	sadd.s32 s7, s0;
	s12 =	sadd.s32 s20, s0;
	s21 =	sshrl.u32 s5, $0x1  }
0xe: {  	s10 =	sshrl.u32 s10, $0x2;
	s16 =	sadd.s32 s8, s4;
	s5 =	ssub.s32 s5, s21  }
0xf: {  	s13 =	sadd.s32 s8, s11;
	s10 =	sadd.s32 s10, s3;
	s23 =	smax.u32 s5, $0x1  }
0x10: {  	s8 =	simm.s32 $0x14380;
	s24 =	sadd.s32 $0x4000, s10;
	[dreg:$0xa] =	wrdreg s23  }
0x11: {  	s14 =	sshrl.u32 s13, $0x3;
	s25 =	sadd.s32 $0x6000, s10;
	[dreg:$0xb] =	wrdreg s24  }
0x12: {  	s26 =	sadd.s32 $0x8000, s10;
	s5 =	sadd.s32 $0xA000, s10;
	[dreg:$0xc] =	wrdreg s25  }
0x13: {  	s13 =	sshll.u32 s13, $0x4;
	s0 =	sadd.s32 s14, s0;
	[dreg:$0xd] =	wrdreg s26  }
0x14: {  	[dreg:$0xe] =	wrdreg s5;
	s14 =	sadd.s32 s22, s7;
	s20 =	sadd.s32 s9, s13  }
0x15: {  	s26 =	sshll.u32 s15, $0x5;
	s0 =	sadd.s32 $0xA5400, s0;
	[dreg:$0xf] =	wrdreg s20  }
0x16: {  	s22 =	sadd.s32 s26, s2;
	s2 =	sadd.s32 $0x400, s20;
	[dreg:$0x9] =	wrdreg s0  }
0x17: {  	s17 =	sadd.s32 $0x2000, s10;
	s5 =	sadd.s32 $0x800, s20;
	[dreg:$0x10] =	wrdreg s2  }
0x18: {  	s19 =	sadd.s32 $0xC000, s10;
	s7 =	sadd.s32 $0xC00, s20;
	[dreg:$0x11] =	wrdreg s5  }
0x19: {  	s25 =	sadd.s32 s18, s12;
	s12 =	sadd.s32 $0x1000, s20;
	[dreg:$0x12] =	wrdreg s7  }
0x1a: {  	s28 =	sadd.s32 $0x12000, s10;
	s13 =	sadd.s32 $0x1400, s20;
	[dreg:$0x13] =	wrdreg s12  }
0x1b: {  	s21 =	sadd.s32 $0x1400, s14;
	s14 =	sadd.s32 $0x1800, s20;
	[dreg:$0x14] =	wrdreg s13  }
0x1c: {  	s23 =	sadd.s32 $0x85400, s25;
	s15 =	sadd.s32 $0x1C00, s20;
	[dreg:$0x15] =	wrdreg s14  }
0x1d: {  	s24 =	sadd.s32 $0x65400, s25;
	s18 =	sadd.s32 $0x2000, s20;
	[dreg:$0x16] =	wrdreg s15  }
0x1e: {  	s25 =	sadd.s32 $0xE000, s10;
	s20 =	sadd.s32 $0x2400, s20;
	[dreg:$0x17] =	wrdreg s18  }
0x1f: {  	s26 =	sadd.s32 $0x10000, s10;
	[dreg:$0x18] =	wrdreg s20;
	s13 =	simm.s32 $0x14480  }
0x20: {  	s0 =	simm.s32 $0x14400;
	s5 =	simm.s32 $0x40;
	s2 =	simm.s32 $0x14280  }
0x21: {  	v0 =	vmov s11;
	s7 =	simm.s32 $0x1;
	s12 =	simm.s32 $0x14300;
	s20 =	simm.s32 $0x0  }
.LBB2_1:
0x22: {  	s11 =	rddreg [dreg:$0x7]  }
0x23: {  	[tilespmem:s13], [sflag:$0x2] =	stream.linear.gather [hbm4b:s11+s6], $0x2000, $0x38;
	[tilespmem:$0x16780] =	vst v63  }
0x24: {  	_ =	swait.ge [sflag:s29], $0x2000  }
0x25: {  	[sflag:s29] =	ssyncset.done $0x0  }
0x26: {  	[sflag:s29] =	ssyncadd.s32 $0xFFFFE000  }
0x27: {  	s18 =	rddreg [dreg:$0x3]  }
0x28: {  	[tilespmem:s30], [sflag:$0x2] =	stream.linear.gather [hbm4b:s18+s6], $0x280, $0x38;
	[tilespmem:$0x16780] =	vst v63  }
0x29: {  	_ =	swait.ge [sflag:s29], $0x280  }
0x2a: {  	[sflag:s29] =	ssyncset.done $0x0  }
0x2b: {  	s14 =	rddreg [dreg:$0x8];
	[sflag:s29] =	ssyncadd.s32 $0xFFFFFD80  }
0x2c: {  	[tilespmem:s31], [sflag:$0x2] =	stream.linear.gather [hbm4b:s14+s6], $0x80, $0x38;
	[tilespmem:$0x16780] =	vst v63  }
0x2d: {  	_ =	swait.ge [sflag:s29], $0x80  }
0x2e: {  	[sflag:s29] =	ssyncset.done $0x0  }
0x2f: {  	[sflag:s29] =	ssyncadd.s32 $0xFFFFFF80  }
0x30: {  	[spmem:s10] =	stream.linear.scatter [tilespmem:s13], [sflag:$0x2], $0x2000, $0x38;
	[tilespmem:$0x16780] =	vst v63  }
0x31: {  	_ =	swait.ge [sflag:s29], $0x2000  }
0x32: {  	[sflag:s29] =	ssyncset.done $0x0  }
0x33: {  	[sflag:s29] =	ssyncadd.s32 $0xFFFFE000  }
0x34: {  	[spmem:s17] =	stream.linear.scatter [tilespmem:s13], [sflag:$0x2], $0x2000, $0x38;
	[tilespmem:$0x16780] =	vst v63  }
0x35: {  	_ =	swait.ge [sflag:s29], $0x2000  }
0x36: {  	[sflag:s29] =	ssyncset.done $0x0  }
0x37: {  	s15 =	rddreg [dreg:$0xb];
	[sflag:s29] =	ssyncadd.s32 $0xFFFFE000  }
0x38: {  	[spmem:s15] =	stream.linear.scatter [tilespmem:s13], [sflag:$0x2], $0x2000, $0x38;
	[tilespmem:$0x16780] =	vst v63  }
0x39: {  	_ =	swait.ge [sflag:s29], $0x2000  }
0x3a: {  	[sflag:s29] =	ssyncset.done $0x0  }
0x3b: {  	s18 =	rddreg [dreg:$0xc];
	[sflag:s29] =	ssyncadd.s32 $0xFFFFE000  }
0x3c: {  	[spmem:s18] =	stream.linear.scatter [tilespmem:s13], [sflag:$0x2], $0x2000, $0x38;
	[tilespmem:$0x16780] =	vst v63  }
0x3d: {  	_ =	swait.ge [sflag:s29], $0x2000  }
0x3e: {  	[sflag:s29] =	ssyncset.done $0x0  }
0x3f: {  	s14 =	rddreg [dreg:$0xd];
	[sflag:s29] =	ssyncadd.s32 $0xFFFFE000  }
0x40: {  	[spmem:s14] =	stream.linear.scatter [tilespmem:s13], [sflag:$0x2], $0x2000, $0x38;
	[tilespmem:$0x16780] =	vst v63  }
0x41: {  	_ =	swait.ge [sflag:s29], $0x2000  }
0x42: {  	[sflag:s29] =	ssyncset.done $0x0  }
0x43: {  	s15 =	rddreg [dreg:$0xe];
	[sflag:s29] =	ssyncadd.s32 $0xFFFFE000  }
0x44: {  	[spmem:s15] =	stream.linear.scatter [tilespmem:s13], [sflag:$0x2], $0x2000, $0x38;
	[tilespmem:$0x16780] =	vst v63  }
0x45: {  	_ =	swait.ge [sflag:s29], $0x2000  }
0x46: {  	[sflag:s29] =	ssyncset.done $0x0  }
0x47: {  	[sflag:s29] =	ssyncadd.s32 $0xFFFFE000  }
0x48: {  	[spmem:s19] =	stream.linear.scatter [tilespmem:s13], [sflag:$0x2], $0x2000, $0x38;
	[tilespmem:$0x16780] =	vst v63  }
0x49: {  	_ =	swait.ge [sflag:s29], $0x2000  }
0x4a: {  	[sflag:s29] =	ssyncset.done $0x0  }
0x4b: {  	[sflag:s29] =	ssyncadd.s32 $0xFFFFE000  }
0x4c: {  	[spmem:s25] =	stream.linear.scatter [tilespmem:s13], [sflag:$0x2], $0x2000, $0x38;
	[tilespmem:$0x16780] =	vst v63  }
0x4d: {  	_ =	swait.ge [sflag:s29], $0x2000  }
0x4e: {  	[sflag:s29] =	ssyncset.done $0x0  }
0x4f: {  	[sflag:s29] =	ssyncadd.s32 $0xFFFFE000  }
0x50: {  	[spmem:s26] =	stream.linear.scatter [tilespmem:s13], [sflag:$0x2], $0x2000, $0x38;
	[tilespmem:$0x16780] =	vst v63  }
0x51: {  	_ =	swait.ge [sflag:s29], $0x2000  }
0x52: {  	[sflag:s29] =	ssyncset.done $0x0  }
0x53: {  	[sflag:s29] =	ssyncadd.s32 $0xFFFFE000  }
0x54: {  	[spmem:s28] =	stream.linear.scatter [tilespmem:s13], [sflag:$0x2], $0x2000, $0x38;
	[tilespmem:$0x16780] =	vst v63  }
0x55: {  	_ =	swait.ge [sflag:s29], $0x2000  }
0x56: {  	[sflag:s29] =	ssyncset.done $0x0  }
0x57: {  	[sflag:s29] =	ssyncadd.s32 $0xFFFFE000  }
0x58: {  	[spmem:s16] =	stream.linear.scatter [tilespmem:s30], [sflag:$0x2], $0x280, $0x38;
	[tilespmem:$0x16780] =	vst v63  }
0x59: {  	_ =	swait.ge [sflag:s29], $0x280  }
0x5a: {  	[sflag:s29] =	ssyncset.done $0x0  }
0x5b: {  	[sflag:s29] =	ssyncadd.s32 $0xFFFFFD80  }
0x5c: {  	s18 =	sadd.s32 $0x0, s21;
	[bflag:$0x0] =	sbarrier.arrive $0xFFFF  }
0x5d: {  	[tilespmem:s0], [sflag:$0x2] =	stream.linear.gather [hbm4b:s18+s6], $0x80, $0x38;
	[tilespmem:$0x16780] =	vst v63  }
0x5e: {  	_ =	swait.ge [sflag:s29], $0x80  }
0x5f: {  	[sflag:s29] =	ssyncset.done $0x0  }
0x60: {  	[sflag:s29] =	ssyncadd.s32 $0xFFFFFF80  }
0x61: {  	v1 =	vld [tilespmem:$0x14470]  }
0x62: {  	v2 =	vld [tilespmem:$0x14460]  }
0x63: {  	v3 =	vld [tilespmem:$0x14430]  }
0x64: {  	v4 =	vld [tilespmem:$0x14450]  }
0x65: {  	v5 =	vld [tilespmem:$0x14400]  }
0x66: {  	v6 =	vld [tilespmem:$0x14420];
	[tilespmem:$0x143B0] =	vst v1  }
0x67: {  	v1 =	vld [tilespmem:$0x14410];
	[tilespmem:$0x143A0] =	vst v2  }
0x68: {  	v2 =	vld [tilespmem:$0x14440];
	[tilespmem:$0x142B0] =	vst v3  }
0x69: {  	[tilespmem:$0x14390] =	vst v4  }
0x6a: {  	[tilespmem:$0x14280] =	vst v5  }
0x6b: {  	[tilespmem:$0x142A0] =	vst v6  }
0x6c: {  	[tilespmem:$0x14290] =	vst v1  }
0x6d: {  	[tilespmem:$0x14380] =	vst v2  }
0x6e: {  	[tilespmem:s13], [sflag:$0x1] =	stream.indirect.gather [hbm4b:s1+s5], $0x80, s2, s5, $0xb8;
	[tilespmem:$0x16780] =	vst v63  }
0x6f: {  	_ =	swait.ge [sflag:s7], $0x2000  }
0x70: {  	[sflag:s7] =	ssyncset.done $0x0  }
0x71: {  	s11 =	simm.s32 $0x200;
	[sflag:s7] =	ssyncadd.s32 $0xFFFFE000  }
.LBB2_2:
0x72: {  	[spmem:s3] =	stream.indirect.scatter.add.f32 [tilespmem:s13], [sflag:$0x2], $0x80, s8, s5, $0xb8;
	[tilespmem:$0x16780] =	vst v63  }
0x73: {  	s14 =	smov.u32 s11  }
0x74: {  	p0 =	sne.s32 s11, $0x13800;
	s11 =	sadd.s32 $0x200, s11;
	_ =	swait.ge [sflag:s29], $0x2000  }
0x75: {  	[sflag:s29] =	ssyncset.done $0x0  }
0x76: {  	[sflag:s29] =	ssyncadd.s32 $0xFFFFE000  }
0x77: {  	[spmem:s4] =	stream.indirect.scatter.add.f32 [tilespmem:s31], [sflag:$0x2], $0x1, s8, s5, $0xb8;
	[tilespmem:$0x16780] =	vst v63  }
0x78: {  	_ =	swait.ge [sflag:s29], $0x40  }
0x79: {  	[sflag:s29] =	ssyncset.done $0x0  }
0x7a: {  	s14 =	sadd.s32 s14, s21;
	[sflag:s29] =	ssyncadd.s32 $0xFFFFFFC0  }
0x7b: {  	[tilespmem:s0], [sflag:$0x2] =	stream.linear.gather [hbm4b:s14+s6], $0x80, $0x38;
	[tilespmem:$0x16780] =	vst v63  }
0x7c: {  	_ =	swait.ge [sflag:s29], $0x80  }
0x7d: {  	[sflag:s29] =	ssyncset.done $0x0  }
0x7e: {  	[sflag:s29] =	ssyncadd.s32 $0xFFFFFF80  }
0x7f: {  	v1 =	vld [tilespmem:$0x14470]  }
0x80: {  	v2 =	vld [tilespmem:$0x14460]  }
0x81: {  	v3 =	vld [tilespmem:$0x14430]  }
0x82: {  	v4 =	vld [tilespmem:$0x14450]  }
0x83: {  	v5 =	vld [tilespmem:$0x14400]  }
0x84: {  	v6 =	vld [tilespmem:$0x14420];
	[tilespmem:$0x143B0] =	vst v1  }
0x85: {  	v1 =	vld [tilespmem:$0x14410];
	[tilespmem:$0x143A0] =	vst v2  }
0x86: {  	v2 =	vld [tilespmem:$0x14440];
	[tilespmem:$0x142B0] =	vst v3  }
0x87: {  	[tilespmem:$0x14390] =	vst v4  }
0x88: {  	[tilespmem:$0x14280] =	vst v5  }
0x89: {  	[tilespmem:$0x142A0] =	vst v6  }
0x8a: {  	[tilespmem:$0x14290] =	vst v1  }
.Ltmp0:
0x8b: {  	[tilespmem:$0x14380] =	vst v2;
	(pc) =	sbr.rel @p0 .LBB2_2-.Ltmp0, $4  }
0x8c: {  	[tilespmem:s13], [sflag:$0x1] =	stream.indirect.gather [hbm4b:s1+s5], $0x80, s2, s5, $0xb8;
	[tilespmem:$0x16780] =	vst v63  }
0x8d: {  	_ =	swait.ge [sflag:s7], $0x2000  }
0x8e: {  	[sflag:s7] =	ssyncset.done $0x0  }
0x8f: {  	[sflag:s7] =	ssyncadd.s32 $0xFFFFE000  }
0x90: {  	[spmem:s3] =	stream.indirect.scatter.add.f32 [tilespmem:s13], [sflag:$0x2], $0x80, s8, s5, $0xb8;
	[tilespmem:$0x16780] =	vst v63  }
0x91: {  	_ =	swait.ge [sflag:s29], $0x2000  }
0x92: {  	[sflag:s29] =	ssyncset.done $0x0  }
0x93: {  	[sflag:s29] =	ssyncadd.s32 $0xFFFFE000  }
0x94: {  	[spmem:s4] =	stream.indirect.scatter.add.f32 [tilespmem:s31], [sflag:$0x2], $0x1, s8, s5, $0xb8;
	[tilespmem:$0x16780] =	vst v63  }
0x95: {  	_ =	swait.ge [sflag:s29], $0x40  }
0x96: {  	[sflag:s29] =	ssyncset.done $0x0  }
0x97: {  	[sflag:s29] =	ssyncadd.s32 $0xFFFFFFC0  }
0x98: {  	[bflag:$0x0] =	sbarrier.arrive $0xFFFF  }
0x99: {  	[tilespmem:s13], [sflag:$0x2] =	stream.linear.gather [spmem:s10], $0x2000, $0x38;
	[tilespmem:$0x16780] =	vst v63  }
0x9a: {  	_ =	swait.ge [sflag:s29], $0x2000  }
0x9b: {  	[sflag:s29] =	ssyncset.done $0x0  }
0x9c: {  	s11 =	simm.s32 $0x0;
	s14 =	rddreg [dreg:$0xf];
	[sflag:s29] =	ssyncadd.s32 $0xFFFFE000  }
0x9d: {  	[hbm4b:s14+s11] =	stream.linear.scatter [tilespmem:s13], [sflag:$0x2], $0x2000, $0x38;
	[tilespmem:$0x16780] =	vst v63  }
0x9e: {  	_ =	swait.ge [sflag:s29], $0x2000  }
0x9f: {  	[sflag:s29] =	ssyncset.done $0x0  }
0xa0: {  	[sflag:s29] =	ssyncadd.s32 $0xFFFFE000  }
0xa1: {  	[tilespmem:s13], [sflag:$0x2] =	stream.linear.gather [spmem:s17], $0x2000, $0x38;
	[tilespmem:$0x16780] =	vst v63  }
0xa2: {  	_ =	swait.ge [sflag:s29], $0x2000  }
0xa3: {  	[sflag:s29] =	ssyncset.done $0x0  }
0xa4: {  	s18 =	smov.u32 s17;
	s17 =	rddreg [dreg:$0x10];
	[sflag:s29] =	ssyncadd.s32 $0xFFFFE000  }
0xa5: {  	[hbm4b:s17+s11] =	stream.linear.scatter [tilespmem:s13], [sflag:$0x2], $0x2000, $0x38;
	[tilespmem:$0x16780] =	vst v63  }
0xa6: {  	_ =	swait.ge [sflag:s29], $0x2000  }
0xa7: {  	[sflag:s29] =	ssyncset.done $0x0  }
0xa8: {  	s15 =	rddreg [dreg:$0xb];
	[sflag:s29] =	ssyncadd.s32 $0xFFFFE000  }
0xa9: {  	[tilespmem:s13], [sflag:$0x2] =	stream.linear.gather [spmem:s15], $0x2000, $0x38;
	[tilespmem:$0x16780] =	vst v63  }
0xaa: {  	_ =	swait.ge [sflag:s29], $0x2000  }
0xab: {  	[sflag:s29] =	ssyncset.done $0x0  }
0xac: {  	s17 =	rddreg [dreg:$0x11];
	[sflag:s29] =	ssyncadd.s32 $0xFFFFE000  }
0xad: {  	[hbm4b:s17+s11] =	stream.linear.scatter [tilespmem:s13], [sflag:$0x2], $0x2000, $0x38;
	[tilespmem:$0x16780] =	vst v63  }
0xae: {  	_ =	swait.ge [sflag:s29], $0x2000  }
0xaf: {  	[sflag:s29] =	ssyncset.done $0x0  }
0xb0: {  	s15 =	rddreg [dreg:$0xc];
	[sflag:s29] =	ssyncadd.s32 $0xFFFFE000  }
0xb1: {  	[tilespmem:s13], [sflag:$0x2] =	stream.linear.gather [spmem:s15], $0x2000, $0x38;
	[tilespmem:$0x16780] =	vst v63  }
0xb2: {  	_ =	swait.ge [sflag:s29], $0x2000  }
0xb3: {  	[sflag:s29] =	ssyncset.done $0x0  }
0xb4: {  	s17 =	rddreg [dreg:$0x12];
	[sflag:s29] =	ssyncadd.s32 $0xFFFFE000  }
0xb5: {  	[hbm4b:s17+s11] =	stream.linear.scatter [tilespmem:s13], [sflag:$0x2], $0x2000, $0x38;
	[tilespmem:$0x16780] =	vst v63  }
0xb6: {  	_ =	swait.ge [sflag:s29], $0x2000  }
0xb7: {  	[sflag:s29] =	ssyncset.done $0x0  }
0xb8: {  	s15 =	rddreg [dreg:$0xd];
	[sflag:s29] =	ssyncadd.s32 $0xFFFFE000  }
0xb9: {  	[tilespmem:s13], [sflag:$0x2] =	stream.linear.gather [spmem:s15], $0x2000, $0x38;
	[tilespmem:$0x16780] =	vst v63  }
0xba: {  	_ =	swait.ge [sflag:s29], $0x2000  }
0xbb: {  	[sflag:s29] =	ssyncset.done $0x0  }
0xbc: {  	s17 =	rddreg [dreg:$0x13];
	[sflag:s29] =	ssyncadd.s32 $0xFFFFE000  }
0xbd: {  	[hbm4b:s17+s11] =	stream.linear.scatter [tilespmem:s13], [sflag:$0x2], $0x2000, $0x38;
	[tilespmem:$0x16780] =	vst v63  }
0xbe: {  	_ =	swait.ge [sflag:s29], $0x2000  }
0xbf: {  	[sflag:s29] =	ssyncset.done $0x0  }
0xc0: {  	s15 =	rddreg [dreg:$0xe];
	[sflag:s29] =	ssyncadd.s32 $0xFFFFE000  }
0xc1: {  	[tilespmem:s13], [sflag:$0x2] =	stream.linear.gather [spmem:s15], $0x2000, $0x38;
	[tilespmem:$0x16780] =	vst v63  }
0xc2: {  	_ =	swait.ge [sflag:s29], $0x2000  }
0xc3: {  	[sflag:s29] =	ssyncset.done $0x0  }
0xc4: {  	s17 =	rddreg [dreg:$0x14];
	[sflag:s29] =	ssyncadd.s32 $0xFFFFE000  }
0xc5: {  	[hbm4b:s17+s11] =	stream.linear.scatter [tilespmem:s13], [sflag:$0x2], $0x2000, $0x38;
	[tilespmem:$0x16780] =	vst v63  }
0xc6: {  	_ =	swait.ge [sflag:s29], $0x2000  }
0xc7: {  	[sflag:s29] =	ssyncset.done $0x0  }
0xc8: {  	[sflag:s29] =	ssyncadd.s32 $0xFFFFE000  }
0xc9: {  	[tilespmem:s13], [sflag:$0x2] =	stream.linear.gather [spmem:s19], $0x2000, $0x38;
	[tilespmem:$0x16780] =	vst v63  }
0xca: {  	_ =	swait.ge [sflag:s29], $0x2000  }
0xcb: {  	[sflag:s29] =	ssyncset.done $0x0  }
0xcc: {  	s15 =	rddreg [dreg:$0x15];
	[sflag:s29] =	ssyncadd.s32 $0xFFFFE000  }
0xcd: {  	[hbm4b:s15+s11] =	stream.linear.scatter [tilespmem:s13], [sflag:$0x2], $0x2000, $0x38;
	[tilespmem:$0x16780] =	vst v63  }
0xce: {  	_ =	swait.ge [sflag:s29], $0x2000  }
0xcf: {  	[sflag:s29] =	ssyncset.done $0x0  }
0xd0: {  	[sflag:s29] =	ssyncadd.s32 $0xFFFFE000  }
0xd1: {  	[tilespmem:s13], [sflag:$0x2] =	stream.linear.gather [spmem:s25], $0x2000, $0x38;
	[tilespmem:$0x16780] =	vst v63  }
0xd2: {  	_ =	swait.ge [sflag:s29], $0x2000  }
0xd3: {  	[sflag:s29] =	ssyncset.done $0x0  }
0xd4: {  	s17 =	rddreg [dreg:$0x16];
	[sflag:s29] =	ssyncadd.s32 $0xFFFFE000  }
0xd5: {  	[hbm4b:s17+s11] =	stream.linear.scatter [tilespmem:s13], [sflag:$0x2], $0x2000, $0x38;
	[tilespmem:$0x16780] =	vst v63  }
0xd6: {  	_ =	swait.ge [sflag:s29], $0x2000  }
0xd7: {  	[sflag:s29] =	ssyncset.done $0x0  }
0xd8: {  	[sflag:s29] =	ssyncadd.s32 $0xFFFFE000  }
0xd9: {  	[tilespmem:s13], [sflag:$0x2] =	stream.linear.gather [spmem:s26], $0x2000, $0x38;
	[tilespmem:$0x16780] =	vst v63  }
0xda: {  	_ =	swait.ge [sflag:s29], $0x2000  }
0xdb: {  	[sflag:s29] =	ssyncset.done $0x0  }
0xdc: {  	s15 =	rddreg [dreg:$0x17];
	[sflag:s29] =	ssyncadd.s32 $0xFFFFE000  }
0xdd: {  	[hbm4b:s15+s11] =	stream.linear.scatter [tilespmem:s13], [sflag:$0x2], $0x2000, $0x38;
	[tilespmem:$0x16780] =	vst v63  }
0xde: {  	_ =	swait.ge [sflag:s29], $0x2000  }
0xdf: {  	[sflag:s29] =	ssyncset.done $0x0  }
0xe0: {  	[sflag:s29] =	ssyncadd.s32 $0xFFFFE000  }
0xe1: {  	[tilespmem:s13], [sflag:$0x2] =	stream.linear.gather [spmem:s28], $0x2000, $0x38;
	[tilespmem:$0x16780] =	vst v63  }
0xe2: {  	_ =	swait.ge [sflag:s29], $0x2000  }
0xe3: {  	[sflag:s29] =	ssyncset.done $0x0  }
0xe4: {  	s17 =	rddreg [dreg:$0x18];
	[sflag:s29] =	ssyncadd.s32 $0xFFFFE000  }
0xe5: {  	[hbm4b:s17+s11] =	stream.linear.scatter [tilespmem:s13], [sflag:$0x2], $0x2000, $0x38;
	[tilespmem:$0x16780] =	vst v63  }
0xe6: {  	_ =	swait.ge [sflag:s29], $0x2000  }
0xe7: {  	[sflag:s29] =	ssyncset.done $0x0  }
0xe8: {  	[sflag:s29] =	ssyncadd.s32 $0xFFFFE000  }
0xe9: {  	[tilespmem:s30], [sflag:$0x2] =	stream.linear.gather [spmem:s16], $0x280, $0x38;
	[tilespmem:$0x16780] =	vst v63  }
0xea: {  	_ =	swait.ge [sflag:s29], $0x280  }
0xeb: {  	[sflag:s29] =	ssyncset.done $0x0  }
0xec: {  	s15 =	rddreg [dreg:$0x9];
	[sflag:s29] =	ssyncadd.s32 $0xFFFFFD80  }
0xed: {  	[hbm4b:s15+s11] =	stream.linear.scatter [tilespmem:s30], [sflag:$0x2], $0x280, $0x38;
	[tilespmem:$0x16780] =	vst v63  }
0xee: {  	_ =	swait.ge [sflag:s29], $0x280  }
0xef: {  	[sflag:s29] =	ssyncset.done $0x0  }
0xf0: {  	[sflag:s29] =	ssyncadd.s32 $0xFFFFFD80  }
0xf1: {  	[bflag:$0x0] =	sbarrier.arrive $0xFFFF  }
0xf2: {  	[tilespmem:s2], [sflag:$0x2] =	stream.linear.gather [hbm4b:s22+s6], $0x40, $0x38;
	[tilespmem:$0x16780] =	vst v63  }
0xf3: {  	_ =	swait.ge [sflag:s29], $0x40  }
0xf4: {  	[sflag:s29] =	ssyncset.done $0x0  }
0xf5: {  	[sflag:s29] =	ssyncadd.s32 $0xFFFFFFC0  }
0xf6: {  	v1 =	vld [tilespmem:$0x142B0]  }
0xf7: {  	v2 =	vld [tilespmem:$0x142A0]  }
0xf8: {  	v3 =	vld [tilespmem:$0x14280]  }
0xf9: {  	v4 =	vld [tilespmem:$0x14290];
	_ =	sdelay $0x1  }
0xfa: {  	v1 =	vadd.s32 v0, v1  }
0xfb: {  	v2 =	vadd.s32 v0, v2;
	[tilespmem:$0x14330] =	vst v1  }
0xfc: {  	v1 =	vadd.s32 v0, v3;
	[tilespmem:$0x14320] =	vst v2  }
0xfd: {  	[tilespmem:$0x14300] =	vst v1;
	v1 =	vadd.s32 v0, v4  }
0xfe: {  	[tilespmem:$0x14310] =	vst v1  }
0xff: {  	[tilespmem:s13], [sflag:$0x1] =	stream.indirect.gather [hbm4b:s9+s5], $0x80, s12, s5, $0xb8;
	[tilespmem:$0x16780] =	vst v63  }
0x100: {  	_ =	swait.ge [sflag:s7], $0x2000  }
0x101: {  	[sflag:s7] =	ssyncset.done $0x0  }
0x102: {  	s17 =	smov.u32 s16;
	s16 =	sadd.s32 $0x0, s24;
	[sflag:s7] =	ssyncadd.s32 $0xFFFFE000  }
0x103: {  	[hbm4b:s16+s6] =	stream.linear.scatter [tilespmem:s13], [sflag:$0x2], $0x2000, $0x38;
	[tilespmem:$0x16780] =	vst v63  }
0x104: {  	_ =	swait.ge [sflag:s29], $0x2000  }
0x105: {  	[sflag:s29] =	ssyncset.done $0x0  }
0x106: {  	[sflag:s29] =	ssyncadd.s32 $0xFFFFE000  }
0x107: {  	[tilespmem:s13], [sflag:$0x1] =	stream.indirect.gather [hbm4b:s1+s5], $0x80, s2, s5, $0xb8;
	[tilespmem:$0x16780] =	vst v63  }
0x108: {  	_ =	swait.ge [sflag:s7], $0x2000  }
0x109: {  	s14 =	sadd.s32 $0x8, s22;
	[sflag:s7] =	ssyncset.done $0x0  }
0x10a: {  	s11 =	simm.s32 $0x400;
	s15 =	sadd.s32 $0x0, s23;
	[sflag:s7] =	ssyncadd.s32 $0xFFFFE000  }
.LBB2_4:
0x10b: {  	[hbm4b:s15+s6] =	stream.linear.scatter [tilespmem:s13], [sflag:$0x2], $0x2000, $0x38;
	[tilespmem:$0x16780] =	vst v63  }
0x10c: {  	s15 =	smov.u32 s11  }
0x10d: {  	p0 =	sne.s32 s11, $0xC00;
	s11 =	sadd.s32 $0x400, s11;
	_ =	swait.ge [sflag:s29], $0x2000  }
0x10e: {  	[sflag:s29] =	ssyncset.done $0x0  }
0x10f: {  	[sflag:s29] =	ssyncadd.s32 $0xFFFFE000  }
0x110: {  	[tilespmem:s2], [sflag:$0x2] =	stream.linear.gather [hbm4b:s14+s6], $0x40, $0x38;
	[tilespmem:$0x16780] =	vst v63  }
0x111: {  	_ =	swait.ge [sflag:s29], $0x40  }
0x112: {  	[sflag:s29] =	ssyncset.done $0x0  }
0x113: {  	[sflag:s29] =	ssyncadd.s32 $0xFFFFFFC0  }
0x114: {  	v1 =	vld [tilespmem:$0x142B0]  }
0x115: {  	v2 =	vld [tilespmem:$0x142A0]  }
0x116: {  	v3 =	vld [tilespmem:$0x14280]  }
0x117: {  	v4 =	vld [tilespmem:$0x14290];
	_ =	sdelay $0x1  }
0x118: {  	v1 =	vadd.s32 v0, v1  }
0x119: {  	v2 =	vadd.s32 v0, v2;
	[tilespmem:$0x14330] =	vst v1  }
0x11a: {  	v1 =	vadd.s32 v0, v3;
	[tilespmem:$0x14320] =	vst v2  }
0x11b: {  	[tilespmem:$0x14300] =	vst v1;
	v1 =	vadd.s32 v0, v4  }
0x11c: {  	[tilespmem:$0x14310] =	vst v1  }
0x11d: {  	[tilespmem:s13], [sflag:$0x1] =	stream.indirect.gather [hbm4b:s9+s5], $0x80, s12, s5, $0xb8;
	[tilespmem:$0x16780] =	vst v63  }
0x11e: {  	_ =	swait.ge [sflag:s7], $0x2000  }
0x11f: {  	s16 =	sadd.s32 s15, s24;
	[sflag:s7] =	ssyncset.done $0x0  }
0x120: {  	[sflag:s7] =	ssyncadd.s32 $0xFFFFE000  }
0x121: {  	[hbm4b:s16+s6] =	stream.linear.scatter [tilespmem:s13], [sflag:$0x2], $0x2000, $0x38;
	[tilespmem:$0x16780] =	vst v63  }
0x122: {  	_ =	swait.ge [sflag:s29], $0x2000  }
0x123: {  	[sflag:s29] =	ssyncset.done $0x0  }
.Ltmp1:
0x124: {  	[sflag:s29] =	ssyncadd.s32 $0xFFFFE000;
	(pc) =	sbr.rel @p0 .LBB2_4-.Ltmp1, $4  }
0x125: {  	[tilespmem:s13], [sflag:$0x1] =	stream.indirect.gather [hbm4b:s1+s5], $0x80, s2, s5, $0xb8;
	[tilespmem:$0x16780] =	vst v63  }
0x126: {  	_ =	swait.ge [sflag:s7], $0x2000  }
0x127: {  	s15 =	sadd.s32 s15, s23;
	[sflag:s7] =	ssyncset.done $0x0  }
0x128: {  	s14 =	sadd.s32 $0x8, s14;
	[sflag:s7] =	ssyncadd.s32 $0xFFFFE000  }
0x129: {  	[hbm4b:s15+s6] =	stream.linear.scatter [tilespmem:s13], [sflag:$0x2], $0x2000, $0x38;
	[tilespmem:$0x16780] =	vst v63  }
0x12a: {  	_ =	swait.ge [sflag:s29], $0x2000  }
0x12b: {  	s20 =	sadd.s32 $0x1, s20;
	s11 =	rddreg [dreg:$0xa]  }
0x12c: {  	p0 =	sne.s32 s20, s11  }
.Ltmp2:
0x12d: {  	_ = 	snop;
	(pc) =	sbr.rel @p0 .LBB2_1-.Ltmp2, $3  }
0x12e: {  	_ =	sdelay $0x1  }
0x12f: {  	[sflag:s29] =	ssyncset.done $0x0  }
0x130: {  	s16 =	smov.u32 s17;
	s17 =	smov.u32 s18;
	[sflag:s29] =	ssyncadd.s32 $0xFFFFE000  }
0x131: {  	_ =	sfence.sel $0x180000  }
0x132: {  	[bflag:$0x0] =	sbarrier.arrive $0xFFFF  }
0x133: {  	_ =	strace $0x90000047  }
0x134: {  	s0 =	stileid.u32;
	[bflag:$0x2] =	sbarrier.arrive $0xFFFF  }
0x135: {  	p0 =	sne.s32 s0, $0x0;
	s0 =	rddreg [dreg:$0x6]  }
0x136: {  	s0 =	sadd.s32 @!p0 $0x100000, s0  }
0x137: {  	[sflag:s0] =	ssyncadd.tile.s32 @!p0 $0x1;
	_ =	shalt  }
.Lfunc_end2:
_tile_overlayer_lowered:
.L_overlay_start_2:
0x138: {  	(tag) =	ssettag $0x2  }
0x139: {  	s0 =	rddreg [dreg:$0x0];
	s2 =	stileid.u32  }
0x13a: {  	s1 =	rddreg [dreg:$0x1];
	p0 =	sne.s32 s2, $0x0  }
0x13b: {  	s3 =	rddreg [dreg:$0x2];
	[bflag:$0x3] =	sbarrier.arrive $0xFFFF;
	s2 =	simm.s32 @!p0 $0x1C02  }
0x13c: {  	[timem:s3], [sflag:s2] =	dma.local @!p0 [hbm:s0], s1  }
0x13d: {  	s0 =	simm.s32 @!p0 $0x2  }
0x13e: {  	_ =	swait.ge @!p0 [sflag:s0], s1  }
0x13f: {  	s1 =	ssub.s32 @!p0 $0x0, s1;
	[sflag:s0] =	ssyncset.done @!p0 $0x0  }
0x140: {  	[sflag:s0] =	ssyncadd.s32 @!p0 s1  }
0x141: {  	[bflag:$0x3] =	sbarrier.arrive $0xFFFF  }
0x142: {  	_ =	shalt  }

</sc_bundles>
